<compile_context>
chip_gen: v7x
topology: tpu7x:2x2x1
jax: 0.10.2.dev20260603
libtpu: 0.0.44.dev20260713+nightly
codegen_flags: <defaults>
</compile_context>

<pallas_src>
import jax
import jax.numpy as jnp
from jax import lax
from jax.experimental import pallas as pl
from jax.experimental.pallas import tpu as pltpu
from jax.experimental.pallas import tpu_sc as plsc

N_NODES = 10000
N_KW = 5000
N_EDGES = 320000
D = 128

NC = 2
NS = 16
NW = NC * NS
ROWS_PAD = 5120
STRIPE = ROWS_PAD // NS
CHUNK = 128
NCHUNK = 80
E_PER_W_PAD = NCHUNK * CHUNK
E_PAD = NW * E_PER_W_PAD
DUMMY = ROWS_PAD - 1

_sc_mesh = plsc.VectorSubcoreMesh(core_axis_name="c", subcore_axis_name="s")


_NBUF = 4
_LEAD = 2


def _seg_body(table_hbm, gidx_hbm, sidx_hbm, zrow_hbm, part_hbm,
              gidx_v, sidx_v, rows_v, acc_sh, gsem, ssem):
    c = lax.axis_index("c")
    s = lax.axis_index("s")
    wid = c * NS + s
    pltpu.sync_copy(zrow_hbm, acc_sh.at[pl.ds(s * STRIPE, STRIPE)])
    pltpu.sync_copy(gidx_hbm.at[wid], gidx_v)
    pltpu.sync_copy(sidx_hbm.at[wid], sidx_v)
    plsc.subcore_barrier()

    for b in range(_LEAD):
        pltpu.async_copy(table_hbm.at[gidx_v.at[b]], rows_v.at[b], gsem.at[b])

    def step(j, carry):
        b = lax.rem(j, _NBUF)
        nb = lax.rem(j + _LEAD, _NBUF)

        @pl.when(j + _LEAD < NCHUNK)
        def _():
            @pl.when(j + _LEAD - _NBUF >= 0)
            def _():
                pltpu.make_async_copy(rows_v.at[nb],
                                      acc_sh.at[sidx_v.at[j]],
                                      ssem.at[nb]).wait()
            pltpu.async_copy(table_hbm.at[gidx_v.at[j + _LEAD]],
                             rows_v.at[nb], gsem.at[nb])

        pltpu.make_async_copy(table_hbm.at[gidx_v.at[j]], rows_v.at[b],
                              gsem.at[b]).wait()
        pltpu.async_copy(rows_v.at[b], acc_sh.at[sidx_v.at[j]], ssem.at[b],
                         add=True)
        return carry

    lax.fori_loop(0, NCHUNK, step, 0)

    def drain(j, carry):
        b = lax.rem(NCHUNK - _NBUF + j, _NBUF)
        pltpu.make_async_copy(rows_v.at[b], acc_sh.at[sidx_v.at[0]],
                              ssem.at[b]).wait()
        return carry

    lax.fori_loop(0, _NBUF, drain, 0)
    plsc.subcore_barrier()
    pltpu.sync_copy(acc_sh.at[pl.ds(s * STRIPE, STRIPE)],
                    part_hbm.at[c, pl.ds(s * STRIPE, STRIPE)])


_seg_sum = pl.kernel(
    _seg_body,
    out_type=jax.ShapeDtypeStruct((NC, ROWS_PAD, D), jnp.float32),
    mesh=_sc_mesh,
    scratch_types=[
        pltpu.VMEM((NCHUNK, CHUNK), jnp.int32),
        pltpu.VMEM((NCHUNK, CHUNK), jnp.int32),
        pltpu.VMEM((_NBUF, CHUNK, D), jnp.float32),
        pltpu.VMEM_SHARED((ROWS_PAD, D), jnp.float32),
        pltpu.SemaphoreType.DMA((_NBUF,)),
        pltpu.SemaphoreType.DMA((_NBUF,)),
    ],
    name="sc_segment_sum",
)

_HB = 1280
_HG = N_EDGES // _HB
_HA = 48


def _hist_body(i1_ref, i2_ref, h1_ref, h2_ref):
    @pl.when(pl.program_id(0) == 0)
    def _():
        h1_ref[...] = jnp.zeros_like(h1_ref)
        h2_ref[...] = jnp.zeros_like(h2_ref)

    def onehot_pair(idx):
        a = lax.shift_right_logical(idx, 7)
        b = lax.bitwise_and(idx, 127)
        A = (a[:, None] == lax.broadcasted_iota(jnp.int32, (_HB, _HA), 1)
             ).astype(jnp.float32)
        B = (b[:, None] == lax.broadcasted_iota(jnp.int32, (_HB, D), 1)
             ).astype(jnp.float32)
        return lax.dot_general(A, B, (((0,), (0,)), ((), ())),
                               preferred_element_type=jnp.float32)

    h1_ref[...] += onehot_pair(i1_ref[0, 0])
    h2_ref[...] += onehot_pair(i2_ref[0, 0])


_hist_call = pl.pallas_call(
    _hist_body,
    grid=(_HG,),
    in_specs=[pl.BlockSpec((1, 1, _HB), lambda i: (i, 0, 0))] * 2,
    out_specs=[pl.BlockSpec((_HA, D), lambda i: (0, 0))] * 2,
    out_shape=[jax.ShapeDtypeStruct((_HA, D), jnp.float32)] * 2,
)



def _pre_body(x_ref, w0_ref, b0_ref, w1_ref, w2_ref, h1_ref, h2k_ref):
    a = jnp.maximum(
        jnp.dot(x_ref[...], w0_ref[...], preferred_element_type=jnp.float32)
        + b0_ref[...], 0.0)
    h1_ref[...] = jnp.dot(a, w1_ref[...], preferred_element_type=jnp.float32)
    h2k_ref[...] = jnp.dot(a, w2_ref[...], preferred_element_type=jnp.float32)


def _fb_body(x_ref, w1_ref, b1_ref, w2_ref, b2_ref, xf_ref):
    a = jnp.maximum(
        jnp.dot(x_ref[...], w1_ref[...], preferred_element_type=jnp.float32)
        + b1_ref[...], 0.0)
    xf_ref[...] = jnp.dot(a, w2_ref[...],
                          preferred_element_type=jnp.float32) + b2_ref[...]


def _mid_body(part_ref, cnt_ref, b1_ref, w2_ref, xf_ref, lw_ref, lb_ref,
              h2d_ref, outdoc_ref):
    s1 = part_ref[0] + part_ref[1]
    dinv = lax.rsqrt(cnt_ref[...] + 1.0)
    xdoc = jnp.maximum(s1 * dinv + b1_ref[...], 0.0)
    h2d_ref[...] = jnp.dot(xdoc, w2_ref[...],
                           preferred_element_type=jnp.float32)
    outdoc_ref[...] = jnp.dot(xdoc * xf_ref[...], lw_ref[...],
                              preferred_element_type=jnp.float32) + lb_ref[...]


def _post_body(part_ref, cnt_ref, h2k_ref, b2_ref, xf_ref, lw_ref, lb_ref,
               outkw_ref):
    s2 = part_ref[0] + part_ref[1]
    dinv = lax.rsqrt(cnt_ref[...] + 1.0)
    xkw = jnp.maximum(s2 * dinv + h2k_ref[...] * (dinv * dinv) + b2_ref[...],
                      0.0)
    outkw_ref[...] = jnp.dot(xkw * xf_ref[...], lw_ref[...],
                             preferred_element_type=jnp.float32) + lb_ref[...]


def _row_spec(blk):
    return pl.BlockSpec((blk, D), lambda i: (i, 0))


_full128 = pl.BlockSpec((D, D), lambda i: (0, 0))
_bias = pl.BlockSpec((1, D), lambda i: (0, 0))
_lw_spec = pl.BlockSpec((D, 1), lambda i: (0, 0))
_lb_spec = pl.BlockSpec((1, 1), lambda i: (0, 0))

_BLK = 512

_pre_call = pl.pallas_call(
    _pre_body,
    grid=(ROWS_PAD // _BLK,),
    in_specs=[_row_spec(_BLK), _full128, _bias, _full128, _full128],
    out_specs=[_row_spec(_BLK), _row_spec(_BLK)],
    out_shape=[jax.ShapeDtypeStruct((ROWS_PAD, D), jnp.float32)] * 2,
)

_FB_ROWS = 10240
_fb_call = pl.pallas_call(
    _fb_body,
    grid=(_FB_ROWS // _BLK,),
    in_specs=[_row_spec(_BLK), _full128, _bias, _full128, _bias],
    out_specs=_row_spec(_BLK),
    out_shape=jax.ShapeDtypeStruct((_FB_ROWS, D), jnp.float32),
)

_part_spec = pl.BlockSpec((NC, _BLK, D), lambda i: (0, i, 0))
_cnt_spec = pl.BlockSpec((_BLK, 1), lambda i: (i, 0))

_mid_call = pl.pallas_call(
    _mid_body,
    grid=(ROWS_PAD // _BLK,),
    in_specs=[_part_spec, _cnt_spec, _bias, _full128, _row_spec(_BLK),
              _lw_spec, _lb_spec],
    out_specs=[_row_spec(_BLK), pl.BlockSpec((_BLK, 1), lambda i: (i, 0))],
    out_shape=[jax.ShapeDtypeStruct((ROWS_PAD, D), jnp.float32),
               jax.ShapeDtypeStruct((ROWS_PAD, 1), jnp.float32)],
)

_post_call = pl.pallas_call(
    _post_body,
    grid=(ROWS_PAD // _BLK,),
    in_specs=[_part_spec, _cnt_spec, _row_spec(_BLK), _bias,
              _row_spec(_BLK), _lw_spec, _lb_spec],
    out_specs=pl.BlockSpec((_BLK, 1), lambda i: (i, 0)),
    out_shape=jax.ShapeDtypeStruct((ROWS_PAD, 1), jnp.float32),
)


def _pad_edges(idx):
    idx = idx.astype(jnp.int32)
    pad = jnp.full((E_PAD - N_EDGES,), DUMMY, dtype=jnp.int32)
    return jnp.concatenate([idx, pad]).reshape(NW, NCHUNK, CHUNK)


def kernel(X_nodes, X_feedback, X_time, kw_idx, doc_idx,
           edge_index_kw2doc, edge_index_doc2kw,
           fb_W1, fb_b1, fb_W2, fb_b2,
           gnn_W0, gnn_b0, gcn1_W, gcn1_b, gcn2_W, gcn2_b,
           last_W, last_b):
    f32 = jnp.float32
    xkw = jnp.pad(X_nodes[:N_KW].astype(f32), ((0, ROWS_PAD - N_KW), (0, 0)))
    xfb = jnp.pad(X_feedback.astype(f32),
                  ((0, _FB_ROWS - N_NODES), (0, D - X_feedback.shape[1])))
    fbW1p = jnp.pad(fb_W1.astype(f32), ((0, D - fb_W1.shape[0]), (0, 0)))
    b0 = gnn_b0.reshape(1, D).astype(f32)
    b1g = gcn1_b.reshape(1, D).astype(f32)
    b2g = gcn2_b.reshape(1, D).astype(f32)
    fb1 = fb_b1.reshape(1, D).astype(f32)
    fb2 = fb_b2.reshape(1, D).astype(f32)
    lw = last_W.reshape(D, 1).astype(f32)
    lb = last_b.reshape(1, 1).astype(f32)

    s1_flat = (edge_index_kw2doc[1] - N_KW).astype(jnp.int32)
    s2_flat = edge_index_doc2kw[1].astype(jnp.int32)
    g1 = _pad_edges(edge_index_kw2doc[0])
    s1 = _pad_edges(s1_flat)
    g2 = _pad_edges(edge_index_doc2kw[0] - N_KW)
    s2 = _pad_edges(s2_flat)

    zrow = jnp.zeros((STRIPE, D), f32)

    hist1, hist2 = _hist_call(s1_flat.reshape(_HG, 1, _HB),
                              s2_flat.reshape(_HG, 1, _HB))
    cnt1 = hist1.reshape(_HA * D, 1)[:ROWS_PAD]
    cnt2 = hist2.reshape(_HA * D, 1)[:ROWS_PAD]

    h1, h2k = _pre_call(xkw, gnn_W0.astype(f32), b0, gcn1_W.astype(f32),
                        gcn2_W.astype(f32))
    xf = _fb_call(xfb, fbW1p, fb1, fb_W2.astype(f32), fb2)

    part1 = _seg_sum(h1, g1, s1, zrow)
    h2d, out_doc = _mid_call(part1, cnt1, b1g, gcn2_W.astype(f32),
                             lax.slice(xf, (N_KW, 0), (N_KW + ROWS_PAD, D)),
                             lw, lb)

    part2 = _seg_sum(h2d, g2, s2, zrow)
    out_kw = _post_call(part2, cnt2, h2k, b2g,
                        lax.slice(xf, (0, 0), (ROWS_PAD, D)), lw, lb)

    return jnp.concatenate([out_kw[:N_KW], out_doc[:N_KW]], axis=0)

# --- scband reference (transcript-rebuilt; emitter-appended) ---
"""Pipeline reference for scband-gnnagent-38852274159906 (READ-ONLY COPY).

The authoritative reference and input builder live on the scoring server;
editing this copy changes nothing except your own understanding.
"""

import jax, jax.numpy as jnp
import numpy as np

N_NODES = 10000
N_KW = 5000
N_EDGES = 320000
D_FEAT = 128
D_MID = 128
D_FB = 2


def _gcn_conv(x, edge_index, W, b):
    # GCNConv: add self-loops, symmetric degree normalization, aggregate, linear.
    N = x.shape[0]
    sl = jnp.arange(N, dtype=edge_index.dtype)
    src = jnp.concatenate([edge_index[0], sl])
    dst = jnp.concatenate([edge_index[1], sl])
    deg = jnp.zeros((N,), dtype=x.dtype).at[dst].add(1.0)
    dinv = jnp.where(deg > 0, 1.0 / jnp.sqrt(deg), 0.0)
    xw = x @ W
    norm = (dinv[src] * dinv[dst])[:, None]
    msg = jnp.take(xw, src, axis=0) * norm
    agg = jnp.zeros_like(xw).at[dst].add(msg)
    return agg + b


def setup_inputs(seed: int = 0) -> dict:
    key = jax.random.key(seed)
    ks = [jax.random.fold_in(key, i) for i in range(20)]
    X_nodes = jax.random.normal(ks[0], (N_NODES, D_FEAT), dtype=jnp.float32)
    X_feedback = jax.random.uniform(ks[1], (N_NODES, D_FB), dtype=jnp.float32)
    X_time = jax.random.uniform(ks[2], (N_NODES, 1), dtype=jnp.float32)
    kw_idx = jnp.arange(N_KW, dtype=jnp.int64 if jax.config.jax_enable_x64 else jnp.int32)
    doc_idx = jnp.arange(N_KW, N_NODES, dtype=kw_idx.dtype)
    # kw2doc: src in kw range, dst in doc range; doc2kw is the reverse direction
    src_kw = jax.random.randint(ks[3], (N_EDGES,), 0, N_KW)
    dst_doc = jax.random.randint(ks[4], (N_EDGES,), N_KW, N_NODES)
    edge_index_kw2doc = jnp.stack([src_kw, dst_doc]).astype(kw_idx.dtype)
    edge_index_doc2kw = jnp.stack([dst_doc, src_kw]).astype(kw_idx.dtype)
    s = 0.05
    params = {
        'fb_W1': jax.random.normal(ks[5], (D_FB, D_MID), dtype=jnp.float32) * s,
        'fb_b1': jnp.zeros((D_MID,), dtype=jnp.float32),
        'fb_W2': jax.random.normal(ks[6], (D_MID, D_MID), dtype=jnp.float32) * s,
        'fb_b2': jnp.zeros((D_MID,), dtype=jnp.float32),
        'gnn_W0': jax.random.normal(ks[7], (D_FEAT, D_MID), dtype=jnp.float32) * s,
        'gnn_b0': jnp.zeros((D_MID,), dtype=jnp.float32),
        'gcn1_W': jax.random.normal(ks[8], (D_MID, D_MID), dtype=jnp.float32) * s,
        'gcn1_b': jnp.zeros((D_MID,), dtype=jnp.float32),
        'gcn2_W': jax.random.normal(ks[9], (D_MID, D_MID), dtype=jnp.float32) * s,
        'gcn2_b': jnp.zeros((D_MID,), dtype=jnp.float32),
        'last_W': jax.random.normal(ks[10], (D_MID, 1), dtype=jnp.float32) * s,
        'last_b': jnp.zeros((1,), dtype=jnp.float32),
    }
    return dict(X_nodes=X_nodes, X_feedback=X_feedback, X_time=X_time,
                kw_idx=kw_idx, doc_idx=doc_idx,
                edge_index_kw2doc=edge_index_kw2doc,
                edge_index_doc2kw=edge_index_doc2kw, **params)


def reference(X_nodes, X_feedback, X_time, kw_idx, doc_idx,
              edge_index_kw2doc, edge_index_doc2kw,
              fb_W1, fb_b1, fb_W2, fb_b2,
              gnn_W0, gnn_b0, gcn1_W, gcn1_b, gcn2_W, gcn2_b,
              last_W, last_b):
    # feedback MLP: relu on all but last layer
    xf = jax.nn.relu(X_feedback @ fb_W1 + fb_b1)
    xf = xf @ fb_W2 + fb_b2
    # time_arch == 'none': X_time passes through unused
    x_init = X_nodes
    x = jnp.zeros((X_nodes.shape[0], D_MID), dtype=X_nodes.dtype)
    # layer 0: dense Linear applied only on kw nodes (scatter-overwrite)
    x = x.at[kw_idx].set(jax.nn.relu(jnp.take(x_init, kw_idx, axis=0) @ gnn_W0 + gnn_b0))
    # layer 1: GCNConv over kw2doc edges, overwrite doc-node rows
    x2 = jax.nn.relu(_gcn_conv(x, edge_index_kw2doc, gcn1_W, gcn1_b))
    x = x.at[doc_idx].set(jnp.take(x2, doc_idx, axis=0))
    # layer 2: GCNConv over doc2kw edges, overwrite kw-node rows
    x3 = jax.nn.relu(_gcn_conv(x, edge_index_doc2kw, gcn2_W, gcn2_b))
    x = x.at[kw_idx].set(jnp.take(x3, kw_idx, axis=0))
    # merging layer: Mul with processed feedback
    x = x * xf
    # final scoring head
    out = x @ last_W + last_b
    return out

if __name__ == "__main__":
    import jax
    _d = setup_inputs()
    print(jax.jit(kernel)(*tuple(_d.values())))

</pallas_src>

<mosaic_0001>
#map = affine_map<(d0, d1) -> (0, 0)>
#map1 = affine_map<(d0, d1) -> (0, 0, 0)>
module attributes {stable_mosaic.version = 14 : i64} {
  func.func @sc_segment_sum(%arg0: i32, %arg1: i32, %arg2: memref<5120x128xf32, #tpu.memory_space<hbm>>, %arg3: memref<32x80x128xi32, #tpu.memory_space<hbm>>, %arg4: memref<32x80x128xi32, #tpu.memory_space<hbm>>, %arg5: memref<320x128xf32, #tpu.memory_space<hbm>>, %arg6: memref<2x5120x128xf32, #tpu.memory_space<hbm>>, %arg7: memref<80x128xi32, #tpu.memory_space<vmem>>, %arg8: memref<80x128xi32, #tpu.memory_space<vmem>>, %arg9: memref<4x128x128xf32, #tpu.memory_space<vmem>>, %arg10: memref<5120x128xf32, #tpu.memory_space<vmem_shared>>, %arg11: memref<4x!tpu.dma_semaphore, #tpu.memory_space<semaphore_mem>>, %arg12: memref<4x!tpu.dma_semaphore, #tpu.memory_space<semaphore_mem>>) attributes {dimension_semantics = [#tpu.dimension_semantics<core_parallel>, #tpu.dimension_semantics<subcore_parallel>], iteration_bounds = array<i64: 2, 16>, scalar_prefetch = 0 : i64, scratch_operands = 6 : i64, tpu.core_type = #tpu.core_type<sc_vector_subcore>, window_params = [{transform_indices = #map}, {transform_indices = #map1}, {transform_indices = #map1}, {transform_indices = #map}, {transform_indices = #map1}]} {
    %mul3A = arith.constant 16 : i32
    %mul3A_0 = arith.muli %arg0, %mul3A : i32
    %add3A = arith.addi %mul3A_0, %arg1 : i32
    %mul3A_1 = arith.constant 320 : i32
    %mul3A_2 = arith.muli %arg1, %mul3A_1 : i32
    "tpu.region"() ({
      %run_scoped3A = tpu.sem_alloc : memref<!tpu.dma_semaphore, #tpu.memory_space<semaphore_mem>>
      %dma_start3A_48 = arith.constant 0 : i32
      %dma_start3A_49 = tpu.memref_slice %arg10[%mul3A_2, %dma_start3A_48] : memref<5120x128xf32, #tpu.memory_space<vmem_shared>> -> memref<320x128xf32, #tpu.memory_space<vmem_shared>>
      tpu.enqueue_dma source(%arg5 : memref<320x128xf32, #tpu.memory_space<hbm>>) target(%dma_start3A_49 : memref<320x128xf32, #tpu.memory_space<vmem_shared>>) target_semaphore(%run_scoped3A : memref<!tpu.dma_semaphore, #tpu.memory_space<semaphore_mem>>)
      %dma_wait3A = arith.constant 0 : i32
      %dma_wait3A_50 = tpu.memref_slice %arg10[%mul3A_2, %dma_wait3A] : memref<5120x128xf32, #tpu.memory_space<vmem_shared>> -> memref<320x128xf32, #tpu.memory_space<vmem_shared>>
      tpu.wait_dma2 semaphore(%run_scoped3A : memref<!tpu.dma_semaphore, #tpu.memory_space<semaphore_mem>>) src(%arg5 : memref<320x128xf32, #tpu.memory_space<hbm>>) dst(%dma_wait3A_50 : memref<320x128xf32, #tpu.memory_space<vmem_shared>>)
      tpu.yield
    }) : () -> ()
    "tpu.region"() ({
      %run_scoped3A = tpu.sem_alloc : memref<!tpu.dma_semaphore, #tpu.memory_space<semaphore_mem>>
      %dma_start3A_48 = arith.constant 0 : i32
      %dma_start3A_49 = arith.constant 0 : i32
      %dma_start3A_50 = tpu.memref_slice %arg3[%add3A, %dma_start3A_48, %dma_start3A_49] : memref<32x80x128xi32, #tpu.memory_space<hbm>> -> memref<1x80x128xi32, #tpu.memory_space<hbm>>
      %dma_start3A_51 = tpu.memref_squeeze %dma_start3A_50 : memref<1x80x128xi32, #tpu.memory_space<hbm>> -> memref<80x128xi32, #tpu.memory_space<hbm>>
      %dma_start3A_52 = arith.constant 0 : i32
      %dma_start3A_53 = arith.constant 0 : i32
      %dma_start3A_54 = tpu.memref_slice %arg3[%add3A, %dma_start3A_52, %dma_start3A_53] : memref<32x80x128xi32, #tpu.memory_space<hbm>> -> memref<1x80x128xi32, #tpu.memory_space<hbm>>
      %dma_start3A_55 = tpu.memref_squeeze %dma_start3A_54 : memref<1x80x128xi32, #tpu.memory_space<hbm>> -> memref<80x128xi32, #tpu.memory_space<hbm>>
      tpu.enqueue_dma source(%dma_start3A_55 : memref<80x128xi32, #tpu.memory_space<hbm>>) target(%arg7 : memref<80x128xi32, #tpu.memory_space<vmem>>) target_semaphore(%run_scoped3A : memref<!tpu.dma_semaphore, #tpu.memory_space<semaphore_mem>>)
      %dma_wait3A = arith.constant 0 : i32
      %dma_wait3A_56 = arith.constant 0 : i32
      %dma_wait3A_57 = tpu.memref_slice %arg3[%add3A, %dma_wait3A, %dma_wait3A_56] : memref<32x80x128xi32, #tpu.memory_space<hbm>> -> memref<1x80x128xi32, #tpu.memory_space<hbm>>
      %dma_wait3A_58 = tpu.memref_squeeze %dma_wait3A_57 : memref<1x80x128xi32, #tpu.memory_space<hbm>> -> memref<80x128xi32, #tpu.memory_space<hbm>>
      %dma_wait3A_59 = arith.constant 0 : i32
      %dma_wait3A_60 = arith.constant 0 : i32
      %dma_wait3A_61 = tpu.memref_slice %arg3[%add3A, %dma_wait3A_59, %dma_wait3A_60] : memref<32x80x128xi32, #tpu.memory_space<hbm>> -> memref<1x80x128xi32, #tpu.memory_space<hbm>>
      %dma_wait3A_62 = tpu.memref_squeeze %dma_wait3A_61 : memref<1x80x128xi32, #tpu.memory_space<hbm>> -> memref<80x128xi32, #tpu.memory_space<hbm>>
      tpu.wait_dma2 semaphore(%run_scoped3A : memref<!tpu.dma_semaphore, #tpu.memory_space<semaphore_mem>>) src(%dma_wait3A_62 : memref<80x128xi32, #tpu.memory_space<hbm>>) dst(%arg7 : memref<80x128xi32, #tpu.memory_space<vmem>>)
      tpu.yield
    }) : () -> ()
    "tpu.region"() ({
      %run_scoped3A = tpu.sem_alloc : memref<!tpu.dma_semaphore, #tpu.memory_space<semaphore_mem>>
      %dma_start3A_48 = arith.constant 0 : i32
      %dma_start3A_49 = arith.constant 0 : i32
      %dma_start3A_50 = tpu.memref_slice %arg4[%add3A, %dma_start3A_48, %dma_start3A_49] : memref<32x80x128xi32, #tpu.memory_space<hbm>> -> memref<1x80x128xi32, #tpu.memory_space<hbm>>
      %dma_start3A_51 = tpu.memref_squeeze %dma_start3A_50 : memref<1x80x128xi32, #tpu.memory_space<hbm>> -> memref<80x128xi32, #tpu.memory_space<hbm>>
      %dma_start3A_52 = arith.constant 0 : i32
      %dma_start3A_53 = arith.constant 0 : i32
      %dma_start3A_54 = tpu.memref_slice %arg4[%add3A, %dma_start3A_52, %dma_start3A_53] : memref<32x80x128xi32, #tpu.memory_space<hbm>> -> memref<1x80x128xi32, #tpu.memory_space<hbm>>
      %dma_start3A_55 = tpu.memref_squeeze %dma_start3A_54 : memref<1x80x128xi32, #tpu.memory_space<hbm>> -> memref<80x128xi32, #tpu.memory_space<hbm>>
      tpu.enqueue_dma source(%dma_start3A_55 : memref<80x128xi32, #tpu.memory_space<hbm>>) target(%arg8 : memref<80x128xi32, #tpu.memory_space<vmem>>) target_semaphore(%run_scoped3A : memref<!tpu.dma_semaphore, #tpu.memory_space<semaphore_mem>>)
      %dma_wait3A = arith.constant 0 : i32
      %dma_wait3A_56 = arith.constant 0 : i32
      %dma_wait3A_57 = tpu.memref_slice %arg4[%add3A, %dma_wait3A, %dma_wait3A_56] : memref<32x80x128xi32, #tpu.memory_space<hbm>> -> memref<1x80x128xi32, #tpu.memory_space<hbm>>
      %dma_wait3A_58 = tpu.memref_squeeze %dma_wait3A_57 : memref<1x80x128xi32, #tpu.memory_space<hbm>> -> memref<80x128xi32, #tpu.memory_space<hbm>>
      %dma_wait3A_59 = arith.constant 0 : i32
      %dma_wait3A_60 = arith.constant 0 : i32
      %dma_wait3A_61 = tpu.memref_slice %arg4[%add3A, %dma_wait3A_59, %dma_wait3A_60] : memref<32x80x128xi32, #tpu.memory_space<hbm>> -> memref<1x80x128xi32, #tpu.memory_space<hbm>>
      %dma_wait3A_62 = tpu.memref_squeeze %dma_wait3A_61 : memref<1x80x128xi32, #tpu.memory_space<hbm>> -> memref<80x128xi32, #tpu.memory_space<hbm>>
      tpu.wait_dma2 semaphore(%run_scoped3A : memref<!tpu.dma_semaphore, #tpu.memory_space<semaphore_mem>>) src(%dma_wait3A_62 : memref<80x128xi32, #tpu.memory_space<hbm>>) dst(%arg8 : memref<80x128xi32, #tpu.memory_space<vmem>>)
      tpu.yield
    }) : () -> ()
    %barrier3A = arith.constant 0 : index
    tpu.barrier barrier_id(%barrier3A)
    %dma_start3A = arith.constant 0 : i32
    %dma_start3A_3 = arith.constant 0 : i32
    %dma_start3A_4 = arith.constant 0 : i32
    %dma_start3A_5 = arith.constant 0 : i32
    %dma_start3A_6 = arith.constant 0 : i32
    %dma_start3A_7 = tpu.memref_slice %arg9[%dma_start3A_3, %dma_start3A_5, %dma_start3A_6] : memref<4x128x128xf32, #tpu.memory_space<vmem>> -> memref<1x128x128xf32, #tpu.memory_space<vmem>>
    %dma_start3A_8 = tpu.memref_squeeze %dma_start3A_7 : memref<1x128x128xf32, #tpu.memory_space<vmem>> -> memref<128x128xf32, #tpu.memory_space<vmem>>
    %dma_start3A_9 = arith.constant 0 : i32
    %dma_start3A_10 = tpu.memref_slice %arg7[%dma_start3A, %dma_start3A_9] : memref<80x128xi32, #tpu.memory_space<vmem>> -> memref<1x128xi32, #tpu.memory_space<vmem>>
    %dma_start3A_11 = tpu.memref_squeeze %dma_start3A_10 : memref<1x128xi32, #tpu.memory_space<vmem>> -> memref<128xi32, #tpu.memory_space<vmem>>
    %dma_start3A_12 = arith.constant 0 : i32
    %dma_start3A_13 = arith.constant 0 : i32
    %dma_start3A_14 = tpu.memref_slice %arg2[%dma_start3A_12, %dma_start3A_13] : memref<5120x128xf32, #tpu.memory_space<hbm>> -> memref<5120x128xf32, #tpu.memory_space<hbm>>
    %dma_start3A_15 = tpu.memref_slice %arg11[%dma_start3A_4] : memref<4x!tpu.dma_semaphore, #tpu.memory_space<semaphore_mem>> -> memref<1x!tpu.dma_semaphore, #tpu.memory_space<semaphore_mem>>
    %dma_start3A_16 = tpu.memref_squeeze %dma_start3A_15 : memref<1x!tpu.dma_semaphore, #tpu.memory_space<semaphore_mem>> -> memref<!tpu.dma_semaphore, #tpu.memory_space<semaphore_mem>>
    tpu.enqueue_indirect_dma source(%dma_start3A_14 : memref<5120x128xf32, #tpu.memory_space<hbm>>) target(%dma_start3A_8 : memref<128x128xf32, #tpu.memory_space<vmem>>) offsets(%dma_start3A_11 : memref<128xi32, #tpu.memory_space<vmem>>) semaphore(%dma_start3A_16 : memref<!tpu.dma_semaphore, #tpu.memory_space<semaphore_mem>>)
    %dma_start3A_17 = arith.constant 1 : i32
    %dma_start3A_18 = arith.constant 1 : i32
    %dma_start3A_19 = arith.constant 1 : i32
    %dma_start3A_20 = arith.constant 0 : i32
    %dma_start3A_21 = arith.constant 0 : i32
    %dma_start3A_22 = tpu.memref_slice %arg9[%dma_start3A_18, %dma_start3A_20, %dma_start3A_21] : memref<4x128x128xf32, #tpu.memory_space<vmem>> -> memref<1x128x128xf32, #tpu.memory_space<vmem>>
    %dma_start3A_23 = tpu.memref_squeeze %dma_start3A_22 : memref<1x128x128xf32, #tpu.memory_space<vmem>> -> memref<128x128xf32, #tpu.memory_space<vmem>>
    %dma_start3A_24 = arith.constant 0 : i32
    %dma_start3A_25 = tpu.memref_slice %arg7[%dma_start3A_17, %dma_start3A_24] : memref<80x128xi32, #tpu.memory_space<vmem>> -> memref<1x128xi32, #tpu.memory_space<vmem>>
    %dma_start3A_26 = tpu.memref_squeeze %dma_start3A_25 : memref<1x128xi32, #tpu.memory_space<vmem>> -> memref<128xi32, #tpu.memory_space<vmem>>
    %dma_start3A_27 = arith.constant 0 : i32
    %dma_start3A_28 = arith.constant 0 : i32
    %dma_start3A_29 = tpu.memref_slice %arg2[%dma_start3A_27, %dma_start3A_28] : memref<5120x128xf32, #tpu.memory_space<hbm>> -> memref<5120x128xf32, #tpu.memory_space<hbm>>
    %dma_start3A_30 = tpu.memref_slice %arg11[%dma_start3A_19] : memref<4x!tpu.dma_semaphore, #tpu.memory_space<semaphore_mem>> -> memref<1x!tpu.dma_semaphore, #tpu.memory_space<semaphore_mem>>
    %dma_start3A_31 = tpu.memref_squeeze %dma_start3A_30 : memref<1x!tpu.dma_semaphore, #tpu.memory_space<semaphore_mem>> -> memref<!tpu.dma_semaphore, #tpu.memory_space<semaphore_mem>>
    tpu.enqueue_indirect_dma source(%dma_start3A_29 : memref<5120x128xf32, #tpu.memory_space<hbm>>) target(%dma_start3A_23 : memref<128x128xf32, #tpu.memory_space<vmem>>) offsets(%dma_start3A_26 : memref<128xi32, #tpu.memory_space<vmem>>) semaphore(%dma_start3A_31 : memref<!tpu.dma_semaphore, #tpu.memory_space<semaphore_mem>>)
    %scan3A = arith.constant 0 : i32
    %scan3A_32 = arith.constant 0 : i32
    %scan3A_33 = arith.constant 80 : i32
    %scan3A_34 = arith.addi %scan3A_32, %scan3A_33 : i32
    %scan3A_35 = arith.constant 1 : i32
    scf.for %scan3A_48 = %scan3A_32 to %scan3A_34 step %scan3A_35  : i32 {
      %rem3A = arith.constant 4 : i32
      %rem3A_49 = arith.remsi %scan3A_48, %rem3A : i32
      %add3A_50 = arith.constant 2 : i32
      %add3A_51 = arith.addi %scan3A_48, %add3A_50 : i32
      %rem3A_52 = arith.constant 4 : i32
      %rem3A_53 = arith.remsi %add3A_51, %rem3A_52 : i32
      %add3A_54 = arith.constant 2 : i32
      %add3A_55 = arith.addi %scan3A_48, %add3A_54 : i32
      %lt3A = arith.constant 80 : i32
      %lt3A_56 = arith.cmpi slt, %add3A_55, %lt3A : i32
      %convert_element_type3A = arith.extui %lt3A_56 : i1 to i32
      %cond3A = arith.constant 0 : i32
      %cond3A_57 = arith.cmpi ne, %convert_element_type3A, %cond3A : i32
      scf.if %cond3A_57 {
        %add3A_81 = arith.constant 2 : i32
        %add3A_82 = arith.addi %scan3A_48, %add3A_81 : i32
        %sub3A = arith.constant 4 : i32
        %sub3A_83 = arith.subi %add3A_82, %sub3A : i32
        %ge3A = arith.constant 0 : i32
        %ge3A_84 = arith.cmpi sge, %sub3A_83, %ge3A : i32
        %convert_element_type3A_85 = arith.extui %ge3A_84 : i1 to i32
        %cond3A_86 = arith.constant 0 : i32
        %cond3A_87 = arith.cmpi ne, %convert_element_type3A_85, %cond3A_86 : i32
        scf.if %cond3A_87 {
          %dma_wait3A_102 = arith.constant 0 : i32
          %dma_wait3A_103 = arith.constant 0 : i32
          %dma_wait3A_104 = tpu.memref_slice %arg9[%rem3A_53, %dma_wait3A_102, %dma_wait3A_103] : memref<4x128x128xf32, #tpu.memory_space<vmem>> -> memref<1x128x128xf32, #tpu.memory_space<vmem>>
          %dma_wait3A_105 = tpu.memref_squeeze %dma_wait3A_104 : memref<1x128x128xf32, #tpu.memory_space<vmem>> -> memref<128x128xf32, #tpu.memory_space<vmem>>
          %dma_wait3A_106 = arith.constant 0 : i32
          %dma_wait3A_107 = tpu.memref_slice %arg8[%scan3A_48, %dma_wait3A_106] : memref<80x128xi32, #tpu.memory_space<vmem>> -> memref<1x128xi32, #tpu.memory_space<vmem>>
          %dma_wait3A_108 = tpu.memref_squeeze %dma_wait3A_107 : memref<1x128xi32, #tpu.memory_space<vmem>> -> memref<128xi32, #tpu.memory_space<vmem>>
          %dma_wait3A_109 = arith.constant 0 : i32
          %dma_wait3A_110 = arith.constant 0 : i32
          %dma_wait3A_111 = tpu.memref_slice %arg10[%dma_wait3A_109, %dma_wait3A_110] : memref<5120x128xf32, #tpu.memory_space<vmem_shared>> -> memref<5120x128xf32, #tpu.memory_space<vmem_shared>>
          %dma_wait3A_112 = tpu.memref_slice %arg12[%rem3A_53] : memref<4x!tpu.dma_semaphore, #tpu.memory_space<semaphore_mem>> -> memref<1x!tpu.dma_semaphore, #tpu.memory_space<semaphore_mem>>
          %dma_wait3A_113 = tpu.memref_squeeze %dma_wait3A_112 : memref<1x!tpu.dma_semaphore, #tpu.memory_space<semaphore_mem>> -> memref<!tpu.dma_semaphore, #tpu.memory_space<semaphore_mem>>
          tpu.wait_indirect_dma semaphore(%dma_wait3A_113 : memref<!tpu.dma_semaphore, #tpu.memory_space<semaphore_mem>>) src(%dma_wait3A_105 : memref<128x128xf32, #tpu.memory_space<vmem>>) dst(%dma_wait3A_111 : memref<5120x128xf32, #tpu.memory_space<vmem_shared>>)
        } else {
        }
        %add3A_88 = arith.constant 2 : i32
        %add3A_89 = arith.addi %scan3A_48, %add3A_88 : i32
        %dma_start3A_90 = arith.constant 0 : i32
        %dma_start3A_91 = arith.constant 0 : i32
        %dma_start3A_92 = tpu.memref_slice %arg9[%rem3A_53, %dma_start3A_90, %dma_start3A_91] : memref<4x128x128xf32, #tpu.memory_space<vmem>> -> memref<1x128x128xf32, #tpu.memory_space<vmem>>
        %dma_start3A_93 = tpu.memref_squeeze %dma_start3A_92 : memref<1x128x128xf32, #tpu.memory_space<vmem>> -> memref<128x128xf32, #tpu.memory_space<vmem>>
        %dma_start3A_94 = arith.constant 0 : i32
        %dma_start3A_95 = tpu.memref_slice %arg7[%add3A_89, %dma_start3A_94] : memref<80x128xi32, #tpu.memory_space<vmem>> -> memref<1x128xi32, #tpu.memory_space<vmem>>
        %dma_start3A_96 = tpu.memref_squeeze %dma_start3A_95 : memref<1x128xi32, #tpu.memory_space<vmem>> -> memref<128xi32, #tpu.memory_space<vmem>>
        %dma_start3A_97 = arith.constant 0 : i32
        %dma_start3A_98 = arith.constant 0 : i32
        %dma_start3A_99 = tpu.memref_slice %arg2[%dma_start3A_97, %dma_start3A_98] : memref<5120x128xf32, #tpu.memory_space<hbm>> -> memref<5120x128xf32, #tpu.memory_space<hbm>>
        %dma_start3A_100 = tpu.memref_slice %arg11[%rem3A_53] : memref<4x!tpu.dma_semaphore, #tpu.memory_space<semaphore_mem>> -> memref<1x!tpu.dma_semaphore, #tpu.memory_space<semaphore_mem>>
        %dma_start3A_101 = tpu.memref_squeeze %dma_start3A_100 : memref<1x!tpu.dma_semaphore, #tpu.memory_space<semaphore_mem>> -> memref<!tpu.dma_semaphore, #tpu.memory_space<semaphore_mem>>
        tpu.enqueue_indirect_dma source(%dma_start3A_99 : memref<5120x128xf32, #tpu.memory_space<hbm>>) target(%dma_start3A_93 : memref<128x128xf32, #tpu.memory_space<vmem>>) offsets(%dma_start3A_96 : memref<128xi32, #tpu.memory_space<vmem>>) semaphore(%dma_start3A_101 : memref<!tpu.dma_semaphore, #tpu.memory_space<semaphore_mem>>)
      } else {
      }
      %dma_wait3A = arith.constant 0 : i32
      %dma_wait3A_58 = arith.constant 0 : i32
      %dma_wait3A_59 = tpu.memref_slice %arg9[%rem3A_49, %dma_wait3A, %dma_wait3A_58] : memref<4x128x128xf32, #tpu.memory_space<vmem>> -> memref<1x128x128xf32, #tpu.memory_space<vmem>>
      %dma_wait3A_60 = tpu.memref_squeeze %dma_wait3A_59 : memref<1x128x128xf32, #tpu.memory_space<vmem>> -> memref<128x128xf32, #tpu.memory_space<vmem>>
      %dma_wait3A_61 = arith.constant 0 : i32
      %dma_wait3A_62 = tpu.memref_slice %arg7[%scan3A_48, %dma_wait3A_61] : memref<80x128xi32, #tpu.memory_space<vmem>> -> memref<1x128xi32, #tpu.memory_space<vmem>>
      %dma_wait3A_63 = tpu.memref_squeeze %dma_wait3A_62 : memref<1x128xi32, #tpu.memory_space<vmem>> -> memref<128xi32, #tpu.memory_space<vmem>>
      %dma_wait3A_64 = arith.constant 0 : i32
      %dma_wait3A_65 = arith.constant 0 : i32
      %dma_wait3A_66 = tpu.memref_slice %arg2[%dma_wait3A_64, %dma_wait3A_65] : memref<5120x128xf32, #tpu.memory_space<hbm>> -> memref<5120x128xf32, #tpu.memory_space<hbm>>
      %dma_wait3A_67 = tpu.memref_slice %arg11[%rem3A_49] : memref<4x!tpu.dma_semaphore, #tpu.memory_space<semaphore_mem>> -> memref<1x!tpu.dma_semaphore, #tpu.memory_space<semaphore_mem>>
      %dma_wait3A_68 = tpu.memref_squeeze %dma_wait3A_67 : memref<1x!tpu.dma_semaphore, #tpu.memory_space<semaphore_mem>> -> memref<!tpu.dma_semaphore, #tpu.memory_space<semaphore_mem>>
      tpu.wait_indirect_dma semaphore(%dma_wait3A_68 : memref<!tpu.dma_semaphore, #tpu.memory_space<semaphore_mem>>) src(%dma_wait3A_66 : memref<5120x128xf32, #tpu.memory_space<hbm>>) dst(%dma_wait3A_60 : memref<128x128xf32, #tpu.memory_space<vmem>>)
      %dma_start3A_69 = arith.constant 0 : i32
      %dma_start3A_70 = arith.constant 0 : i32
      %dma_start3A_71 = tpu.memref_slice %arg9[%rem3A_49, %dma_start3A_69, %dma_start3A_70] : memref<4x128x128xf32, #tpu.memory_space<vmem>> -> memref<1x128x128xf32, #tpu.memory_space<vmem>>
      %dma_start3A_72 = tpu.memref_squeeze %dma_start3A_71 : memref<1x128x128xf32, #tpu.memory_space<vmem>> -> memref<128x128xf32, #tpu.memory_space<vmem>>
      %dma_start3A_73 = arith.constant 0 : i32
      %dma_start3A_74 = tpu.memref_slice %arg8[%scan3A_48, %dma_start3A_73] : memref<80x128xi32, #tpu.memory_space<vmem>> -> memref<1x128xi32, #tpu.memory_space<vmem>>
      %dma_start3A_75 = tpu.memref_squeeze %dma_start3A_74 : memref<1x128xi32, #tpu.memory_space<vmem>> -> memref<128xi32, #tpu.memory_space<vmem>>
      %dma_start3A_76 = arith.constant 0 : i32
      %dma_start3A_77 = arith.constant 0 : i32
      %dma_start3A_78 = tpu.memref_slice %arg10[%dma_start3A_76, %dma_start3A_77] : memref<5120x128xf32, #tpu.memory_space<vmem_shared>> -> memref<5120x128xf32, #tpu.memory_space<vmem_shared>>
      %dma_start3A_79 = tpu.memref_slice %arg12[%rem3A_49] : memref<4x!tpu.dma_semaphore, #tpu.memory_space<semaphore_mem>> -> memref<1x!tpu.dma_semaphore, #tpu.memory_space<semaphore_mem>>
      %dma_start3A_80 = tpu.memref_squeeze %dma_start3A_79 : memref<1x!tpu.dma_semaphore, #tpu.memory_space<semaphore_mem>> -> memref<!tpu.dma_semaphore, #tpu.memory_space<semaphore_mem>>
      tpu.enqueue_indirect_dma source(%dma_start3A_72 : memref<128x128xf32, #tpu.memory_space<vmem>>) target(%dma_start3A_78 : memref<5120x128xf32, #tpu.memory_space<vmem_shared>>) offsets(%dma_start3A_75 : memref<128xi32, #tpu.memory_space<vmem>>) semaphore(%dma_start3A_80 : memref<!tpu.dma_semaphore, #tpu.memory_space<semaphore_mem>>) {add = true}
    }
    %scan3A_36 = arith.constant 80 : i32
    %scan3A_37 = arith.constant 0 : i32
    %scan3A_38 = arith.constant 0 : i32
    %scan3A_39 = arith.constant 4 : i32
    %scan3A_40 = arith.addi %scan3A_38, %scan3A_39 : i32
    %scan3A_41 = arith.constant 1 : i32
    scf.for %scan3A_48 = %scan3A_38 to %scan3A_40 step %scan3A_41  : i32 {
      %add3A_49 = arith.constant 76 : i32
      %add3A_50 = arith.addi %add3A_49, %scan3A_48 : i32
      %rem3A = arith.constant 4 : i32
      %rem3A_51 = arith.remsi %add3A_50, %rem3A : i32
      %dma_wait3A = arith.constant 0 : i32
      %dma_wait3A_52 = arith.constant 0 : i32
      %dma_wait3A_53 = arith.constant 0 : i32
      %dma_wait3A_54 = tpu.memref_slice %arg9[%rem3A_51, %dma_wait3A_52, %dma_wait3A_53] : memref<4x128x128xf32, #tpu.memory_space<vmem>> -> memref<1x128x128xf32, #tpu.memory_space<vmem>>
      %dma_wait3A_55 = tpu.memref_squeeze %dma_wait3A_54 : memref<1x128x128xf32, #tpu.memory_space<vmem>> -> memref<128x128xf32, #tpu.memory_space<vmem>>
      %dma_wait3A_56 = arith.constant 0 : i32
      %dma_wait3A_57 = tpu.memref_slice %arg8[%dma_wait3A, %dma_wait3A_56] : memref<80x128xi32, #tpu.memory_space<vmem>> -> memref<1x128xi32, #tpu.memory_space<vmem>>
      %dma_wait3A_58 = tpu.memref_squeeze %dma_wait3A_57 : memref<1x128xi32, #tpu.memory_space<vmem>> -> memref<128xi32, #tpu.memory_space<vmem>>
      %dma_wait3A_59 = arith.constant 0 : i32
      %dma_wait3A_60 = arith.constant 0 : i32
      %dma_wait3A_61 = tpu.memref_slice %arg10[%dma_wait3A_59, %dma_wait3A_60] : memref<5120x128xf32, #tpu.memory_space<vmem_shared>> -> memref<5120x128xf32, #tpu.memory_space<vmem_shared>>
      %dma_wait3A_62 = tpu.memref_slice %arg12[%rem3A_51] : memref<4x!tpu.dma_semaphore, #tpu.memory_space<semaphore_mem>> -> memref<1x!tpu.dma_semaphore, #tpu.memory_space<semaphore_mem>>
      %dma_wait3A_63 = tpu.memref_squeeze %dma_wait3A_62 : memref<1x!tpu.dma_semaphore, #tpu.memory_space<semaphore_mem>> -> memref<!tpu.dma_semaphore, #tpu.memory_space<semaphore_mem>>
      tpu.wait_indirect_dma semaphore(%dma_wait3A_63 : memref<!tpu.dma_semaphore, #tpu.memory_space<semaphore_mem>>) src(%dma_wait3A_55 : memref<128x128xf32, #tpu.memory_space<vmem>>) dst(%dma_wait3A_61 : memref<5120x128xf32, #tpu.memory_space<vmem_shared>>)
    }
    %scan3A_42 = arith.constant 4 : i32
    %barrier3A_43 = arith.constant 0 : index
    tpu.barrier barrier_id(%barrier3A_43)
    %mul3A_44 = arith.constant 320 : i32
    %mul3A_45 = arith.muli %arg1, %mul3A_44 : i32
    %mul3A_46 = arith.constant 320 : i32
    %mul3A_47 = arith.muli %arg1, %mul3A_46 : i32
    "tpu.region"() ({
      %run_scoped3A = tpu.sem_alloc : memref<!tpu.dma_semaphore, #tpu.memory_space<semaphore_mem>>
      %dma_start3A_48 = arith.constant 0 : i32
      %dma_start3A_49 = tpu.memref_slice %arg6[%arg0, %mul3A_47, %dma_start3A_48] : memref<2x5120x128xf32, #tpu.memory_space<hbm>> -> memref<1x320x128xf32, #tpu.memory_space<hbm>>
      %dma_start3A_50 = tpu.memref_squeeze %dma_start3A_49 : memref<1x320x128xf32, #tpu.memory_space<hbm>> -> memref<320x128xf32, #tpu.memory_space<hbm>>
      %dma_start3A_51 = arith.constant 0 : i32
      %dma_start3A_52 = tpu.memref_slice %arg10[%mul3A_45, %dma_start3A_51] : memref<5120x128xf32, #tpu.memory_space<vmem_shared>> -> memref<320x128xf32, #tpu.memory_space<vmem_shared>>
      tpu.enqueue_dma source(%dma_start3A_52 : memref<320x128xf32, #tpu.memory_space<vmem_shared>>) target(%dma_start3A_50 : memref<320x128xf32, #tpu.memory_space<hbm>>) target_semaphore(%run_scoped3A : memref<!tpu.dma_semaphore, #tpu.memory_space<semaphore_mem>>)
      %dma_wait3A = arith.constant 0 : i32
      %dma_wait3A_53 = tpu.memref_slice %arg6[%arg0, %mul3A_47, %dma_wait3A] : memref<2x5120x128xf32, #tpu.memory_space<hbm>> -> memref<1x320x128xf32, #tpu.memory_space<hbm>>
      %dma_wait3A_54 = tpu.memref_squeeze %dma_wait3A_53 : memref<1x320x128xf32, #tpu.memory_space<hbm>> -> memref<320x128xf32, #tpu.memory_space<hbm>>
      %dma_wait3A_55 = arith.constant 0 : i32
      %dma_wait3A_56 = tpu.memref_slice %arg10[%mul3A_45, %dma_wait3A_55] : memref<5120x128xf32, #tpu.memory_space<vmem_shared>> -> memref<320x128xf32, #tpu.memory_space<vmem_shared>>
      tpu.wait_dma2 semaphore(%run_scoped3A : memref<!tpu.dma_semaphore, #tpu.memory_space<semaphore_mem>>) src(%dma_wait3A_56 : memref<320x128xf32, #tpu.memory_space<vmem_shared>>) dst(%dma_wait3A_54 : memref<320x128xf32, #tpu.memory_space<hbm>>)
      tpu.yield
    }) : () -> ()
    return
  }
}

#map = affine_map<(d0, d1) -> (0, 0)>
#map1 = affine_map<(d0, d1) -> (0, 0, 0)>
module attributes {stable_mosaic.version = 14 : i64} {
  func.func @sc_segment_sum(%arg0: i32, %arg1: i32, %arg2: memref<5120x128xf32, #tpu.memory_space<hbm>>, %arg3: memref<32x80x128xi32, #tpu.memory_space<hbm>>, %arg4: memref<32x80x128xi32, #tpu.memory_space<hbm>>, %arg5: memref<320x128xf32, #tpu.memory_space<hbm>>, %arg6: memref<2x5120x128xf32, #tpu.memory_space<hbm>>, %arg7: memref<80x128xi32, #tpu.memory_space<vmem>>, %arg8: memref<80x128xi32, #tpu.memory_space<vmem>>, %arg9: memref<4x128x128xf32, #tpu.memory_space<vmem>>, %arg10: memref<5120x128xf32, #tpu.memory_space<vmem_shared>>, %arg11: memref<4x!tpu.dma_semaphore, #tpu.memory_space<semaphore_mem>>, %arg12: memref<4x!tpu.dma_semaphore, #tpu.memory_space<semaphore_mem>>) attributes {dimension_semantics = [#tpu.dimension_semantics<core_parallel>, #tpu.dimension_semantics<subcore_parallel>], iteration_bounds = array<i64: 2, 16>, scalar_prefetch = 0 : i64, scratch_operands = 6 : i64, tpu.core_type = #tpu.core_type<sc_vector_subcore>, window_params = [{transform_indices = #map}, {transform_indices = #map1}, {transform_indices = #map1}, {transform_indices = #map}, {transform_indices = #map1}]} {
    %mul3A = arith.constant 16 : i32
    %mul3A_0 = arith.muli %arg0, %mul3A : i32
    %add3A = arith.addi %mul3A_0, %arg1 : i32
    %mul3A_1 = arith.constant 320 : i32
    %mul3A_2 = arith.muli %arg1, %mul3A_1 : i32
    "tpu.region"() ({
      %run_scoped3A = tpu.sem_alloc : memref<!tpu.dma_semaphore, #tpu.memory_space<semaphore_mem>>
      %dma_start3A_48 = arith.constant 0 : i32
      %dma_start3A_49 = tpu.memref_slice %arg10[%mul3A_2, %dma_start3A_48] : memref<5120x128xf32, #tpu.memory_space<vmem_shared>> -> memref<320x128xf32, #tpu.memory_space<vmem_shared>>
      tpu.enqueue_dma source(%arg5 : memref<320x128xf32, #tpu.memory_space<hbm>>) target(%dma_start3A_49 : memref<320x128xf32, #tpu.memory_space<vmem_shared>>) target_semaphore(%run_scoped3A : memref<!tpu.dma_semaphore, #tpu.memory_space<semaphore_mem>>)
      %dma_wait3A = arith.constant 0 : i32
      %dma_wait3A_50 = tpu.memref_slice %arg10[%mul3A_2, %dma_wait3A] : memref<5120x128xf32, #tpu.memory_space<vmem_shared>> -> memref<320x128xf32, #tpu.memory_space<vmem_shared>>
      tpu.wait_dma2 semaphore(%run_scoped3A : memref<!tpu.dma_semaphore, #tpu.memory_space<semaphore_mem>>) src(%arg5 : memref<320x128xf32, #tpu.memory_space<hbm>>) dst(%dma_wait3A_50 : memref<320x128xf32, #tpu.memory_space<vmem_shared>>)
      tpu.yield
    }) : () -> ()
    "tpu.region"() ({
      %run_scoped3A = tpu.sem_alloc : memref<!tpu.dma_semaphore, #tpu.memory_space<semaphore_mem>>
      %dma_start3A_48 = arith.constant 0 : i32
      %dma_start3A_49 = arith.constant 0 : i32
      %dma_start3A_50 = tpu.memref_slice %arg3[%add3A, %dma_start3A_48, %dma_start3A_49] : memref<32x80x128xi32, #tpu.memory_space<hbm>> -> memref<1x80x128xi32, #tpu.memory_space<hbm>>
      %dma_start3A_51 = tpu.memref_squeeze %dma_start3A_50 : memref<1x80x128xi32, #tpu.memory_space<hbm>> -> memref<80x128xi32, #tpu.memory_space<hbm>>
      %dma_start3A_52 = arith.constant 0 : i32
      %dma_start3A_53 = arith.constant 0 : i32
      %dma_start3A_54 = tpu.memref_slice %arg3[%add3A, %dma_start3A_52, %dma_start3A_53] : memref<32x80x128xi32, #tpu.memory_space<hbm>> -> memref<1x80x128xi32, #tpu.memory_space<hbm>>
      %dma_start3A_55 = tpu.memref_squeeze %dma_start3A_54 : memref<1x80x128xi32, #tpu.memory_space<hbm>> -> memref<80x128xi32, #tpu.memory_space<hbm>>
      tpu.enqueue_dma source(%dma_start3A_55 : memref<80x128xi32, #tpu.memory_space<hbm>>) target(%arg7 : memref<80x128xi32, #tpu.memory_space<vmem>>) target_semaphore(%run_scoped3A : memref<!tpu.dma_semaphore, #tpu.memory_space<semaphore_mem>>)
      %dma_wait3A = arith.constant 0 : i32
      %dma_wait3A_56 = arith.constant 0 : i32
      %dma_wait3A_57 = tpu.memref_slice %arg3[%add3A, %dma_wait3A, %dma_wait3A_56] : memref<32x80x128xi32, #tpu.memory_space<hbm>> -> memref<1x80x128xi32, #tpu.memory_space<hbm>>
      %dma_wait3A_58 = tpu.memref_squeeze %dma_wait3A_57 : memref<1x80x128xi32, #tpu.memory_space<hbm>> -> memref<80x128xi32, #tpu.memory_space<hbm>>
      %dma_wait3A_59 = arith.constant 0 : i32
      %dma_wait3A_60 = arith.constant 0 : i32
      %dma_wait3A_61 = tpu.memref_slice %arg3[%add3A, %dma_wait3A_59, %dma_wait3A_60] : memref<32x80x128xi32, #tpu.memory_space<hbm>> -> memref<1x80x128xi32, #tpu.memory_space<hbm>>
      %dma_wait3A_62 = tpu.memref_squeeze %dma_wait3A_61 : memref<1x80x128xi32, #tpu.memory_space<hbm>> -> memref<80x128xi32, #tpu.memory_space<hbm>>
      tpu.wait_dma2 semaphore(%run_scoped3A : memref<!tpu.dma_semaphore, #tpu.memory_space<semaphore_mem>>) src(%dma_wait3A_62 : memref<80x128xi32, #tpu.memory_space<hbm>>) dst(%arg7 : memref<80x128xi32, #tpu.memory_space<vmem>>)
      tpu.yield
    }) : () -> ()
    "tpu.region"() ({
      %run_scoped3A = tpu.sem_alloc : memref<!tpu.dma_semaphore, #tpu.memory_space<semaphore_mem>>
      %dma_start3A_48 = arith.constant 0 : i32
      %dma_start3A_49 = arith.constant 0 : i32
      %dma_start3A_50 = tpu.memref_slice %arg4[%add3A, %dma_start3A_48, %dma_start3A_49] : memref<32x80x128xi32, #tpu.memory_space<hbm>> -> memref<1x80x128xi32, #tpu.memory_space<hbm>>
      %dma_start3A_51 = tpu.memref_squeeze %dma_start3A_50 : memref<1x80x128xi32, #tpu.memory_space<hbm>> -> memref<80x128xi32, #tpu.memory_space<hbm>>
      %dma_start3A_52 = arith.constant 0 : i32
      %dma_start3A_53 = arith.constant 0 : i32
      %dma_start3A_54 = tpu.memref_slice %arg4[%add3A, %dma_start3A_52, %dma_start3A_53] : memref<32x80x128xi32, #tpu.memory_space<hbm>> -> memref<1x80x128xi32, #tpu.memory_space<hbm>>
      %dma_start3A_55 = tpu.memref_squeeze %dma_start3A_54 : memref<1x80x128xi32, #tpu.memory_space<hbm>> -> memref<80x128xi32, #tpu.memory_space<hbm>>
      tpu.enqueue_dma source(%dma_start3A_55 : memref<80x128xi32, #tpu.memory_space<hbm>>) target(%arg8 : memref<80x128xi32, #tpu.memory_space<vmem>>) target_semaphore(%run_scoped3A : memref<!tpu.dma_semaphore, #tpu.memory_space<semaphore_mem>>)
      %dma_wait3A = arith.constant 0 : i32
      %dma_wait3A_56 = arith.constant 0 : i32
      %dma_wait3A_57 = tpu.memref_slice %arg4[%add3A, %dma_wait3A, %dma_wait3A_56] : memref<32x80x128xi32, #tpu.memory_space<hbm>> -> memref<1x80x128xi32, #tpu.memory_space<hbm>>
      %dma_wait3A_58 = tpu.memref_squeeze %dma_wait3A_57 : memref<1x80x128xi32, #tpu.memory_space<hbm>> -> memref<80x128xi32, #tpu.memory_space<hbm>>
      %dma_wait3A_59 = arith.constant 0 : i32
      %dma_wait3A_60 = arith.constant 0 : i32
      %dma_wait3A_61 = tpu.memref_slice %arg4[%add3A, %dma_wait3A_59, %dma_wait3A_60] : memref<32x80x128xi32, #tpu.memory_space<hbm>> -> memref<1x80x128xi32, #tpu.memory_space<hbm>>
      %dma_wait3A_62 = tpu.memref_squeeze %dma_wait3A_61 : memref<1x80x128xi32, #tpu.memory_space<hbm>> -> memref<80x128xi32, #tpu.memory_space<hbm>>
      tpu.wait_dma2 semaphore(%run_scoped3A : memref<!tpu.dma_semaphore, #tpu.memory_space<semaphore_mem>>) src(%dma_wait3A_62 : memref<80x128xi32, #tpu.memory_space<hbm>>) dst(%arg8 : memref<80x128xi32, #tpu.memory_space<vmem>>)
      tpu.yield
    }) : () -> ()
    %barrier3A = arith.constant 0 : index
    tpu.barrier barrier_id(%barrier3A)
    %dma_start3A = arith.constant 0 : i32
    %dma_start3A_3 = arith.constant 0 : i32
    %dma_start3A_4 = arith.constant 0 : i32
    %dma_start3A_5 = arith.constant 0 : i32
    %dma_start3A_6 = arith.constant 0 : i32
    %dma_start3A_7 = tpu.memref_slice %arg9[%dma_start3A_3, %dma_start3A_5, %dma_start3A_6] : memref<4x128x128xf32, #tpu.memory_space<vmem>> -> memref<1x128x128xf32, #tpu.memory_space<vmem>>
    %dma_start3A_8 = tpu.memref_squeeze %dma_start3A_7 : memref<1x128x128xf32, #tpu.memory_space<vmem>> -> memref<128x128xf32, #tpu.memory_space<vmem>>
    %dma_start3A_9 = arith.constant 0 : i32
    %dma_start3A_10 = tpu.memref_slice %arg7[%dma_start3A, %dma_start3A_9] : memref<80x128xi32, #tpu.memory_space<vmem>> -> memref<1x128xi32, #tpu.memory_space<vmem>>
    %dma_start3A_11 = tpu.memref_squeeze %dma_start3A_10 : memref<1x128xi32, #tpu.memory_space<vmem>> -> memref<128xi32, #tpu.memory_space<vmem>>
    %dma_start3A_12 = arith.constant 0 : i32
    %dma_start3A_13 = arith.constant 0 : i32
    %dma_start3A_14 = tpu.memref_slice %arg2[%dma_start3A_12, %dma_start3A_13] : memref<5120x128xf32, #tpu.memory_space<hbm>> -> memref<5120x128xf32, #tpu.memory_space<hbm>>
    %dma_start3A_15 = tpu.memref_slice %arg11[%dma_start3A_4] : memref<4x!tpu.dma_semaphore, #tpu.memory_space<semaphore_mem>> -> memref<1x!tpu.dma_semaphore, #tpu.memory_space<semaphore_mem>>
    %dma_start3A_16 = tpu.memref_squeeze %dma_start3A_15 : memref<1x!tpu.dma_semaphore, #tpu.memory_space<semaphore_mem>> -> memref<!tpu.dma_semaphore, #tpu.memory_space<semaphore_mem>>
    tpu.enqueue_indirect_dma source(%dma_start3A_14 : memref<5120x128xf32, #tpu.memory_space<hbm>>) target(%dma_start3A_8 : memref<128x128xf32, #tpu.memory_space<vmem>>) offsets(%dma_start3A_11 : memref<128xi32, #tpu.memory_space<vmem>>) semaphore(%dma_start3A_16 : memref<!tpu.dma_semaphore, #tpu.memory_space<semaphore_mem>>)
    %dma_start3A_17 = arith.constant 1 : i32
    %dma_start3A_18 = arith.constant 1 : i32
    %dma_start3A_19 = arith.constant 1 : i32
    %dma_start3A_20 = arith.constant 0 : i32
    %dma_start3A_21 = arith.constant 0 : i32
    %dma_start3A_22 = tpu.memref_slice %arg9[%dma_start3A_18, %dma_start3A_20, %dma_start3A_21] : memref<4x128x128xf32, #tpu.memory_space<vmem>> -> memref<1x128x128xf32, #tpu.memory_space<vmem>>
    %dma_start3A_23 = tpu.memref_squeeze %dma_start3A_22 : memref<1x128x128xf32, #tpu.memory_space<vmem>> -> memref<128x128xf32, #tpu.memory_space<vmem>>
    %dma_start3A_24 = arith.constant 0 : i32
    %dma_start3A_25 = tpu.memref_slice %arg7[%dma_start3A_17, %dma_start3A_24] : memref<80x128xi32, #tpu.memory_space<vmem>> -> memref<1x128xi32, #tpu.memory_space<vmem>>
    %dma_start3A_26 = tpu.memref_squeeze %dma_start3A_25 : memref<1x128xi32, #tpu.memory_space<vmem>> -> memref<128xi32, #tpu.memory_space<vmem>>
    %dma_start3A_27 = arith.constant 0 : i32
    %dma_start3A_28 = arith.constant 0 : i32
    %dma_start3A_29 = tpu.memref_slice %arg2[%dma_start3A_27, %dma_start3A_28] : memref<5120x128xf32, #tpu.memory_space<hbm>> -> memref<5120x128xf32, #tpu.memory_space<hbm>>
    %dma_start3A_30 = tpu.memref_slice %arg11[%dma_start3A_19] : memref<4x!tpu.dma_semaphore, #tpu.memory_space<semaphore_mem>> -> memref<1x!tpu.dma_semaphore, #tpu.memory_space<semaphore_mem>>
    %dma_start3A_31 = tpu.memref_squeeze %dma_start3A_30 : memref<1x!tpu.dma_semaphore, #tpu.memory_space<semaphore_mem>> -> memref<!tpu.dma_semaphore, #tpu.memory_space<semaphore_mem>>
    tpu.enqueue_indirect_dma source(%dma_start3A_29 : memref<5120x128xf32, #tpu.memory_space<hbm>>) target(%dma_start3A_23 : memref<128x128xf32, #tpu.memory_space<vmem>>) offsets(%dma_start3A_26 : memref<128xi32, #tpu.memory_space<vmem>>) semaphore(%dma_start3A_31 : memref<!tpu.dma_semaphore, #tpu.memory_space<semaphore_mem>>)
    %scan3A = arith.constant 0 : i32
    %scan3A_32 = arith.constant 0 : i32
    %scan3A_33 = arith.constant 80 : i32
    %scan3A_34 = arith.addi %scan3A_32, %scan3A_33 : i32
    %scan3A_35 = arith.constant 1 : i32
    scf.for %scan3A_48 = %scan3A_32 to %scan3A_34 step %scan3A_35  : i32 {
      %rem3A = arith.constant 4 : i32
      %rem3A_49 = arith.remsi %scan3A_48, %rem3A : i32
      %add3A_50 = arith.constant 2 : i32
      %add3A_51 = arith.addi %scan3A_48, %add3A_50 : i32
      %rem3A_52 = arith.constant 4 : i32
      %rem3A_53 = arith.remsi %add3A_51, %rem3A_52 : i32
      %add3A_54 = arith.constant 2 : i32
      %add3A_55 = arith.addi %scan3A_48, %add3A_54 : i32
      %lt3A = arith.constant 80 : i32
      %lt3A_56 = arith.cmpi slt, %add3A_55, %lt3A : i32
      %convert_element_type3A = arith.extui %lt3A_56 : i1 to i32
      %cond3A = arith.constant 0 : i32
      %cond3A_57 = arith.cmpi ne, %convert_element_type3A, %cond3A : i32
      scf.if %cond3A_57 {
        %add3A_81 = arith.constant 2 : i32
        %add3A_82 = arith.addi %scan3A_48, %add3A_81 : i32
        %sub3A = arith.constant 4 : i32
        %sub3A_83 = arith.subi %add3A_82, %sub3A : i32
        %ge3A = arith.constant 0 : i32
        %ge3A_84 = arith.cmpi sge, %sub3A_83, %ge3A : i32
        %convert_element_type3A_85 = arith.extui %ge3A_84 : i1 to i32
        %cond3A_86 = arith.constant 0 : i32
        %cond3A_87 = arith.cmpi ne, %convert_element_type3A_85, %cond3A_86 : i32
        scf.if %cond3A_87 {
          %dma_wait3A_102 = arith.constant 0 : i32
          %dma_wait3A_103 = arith.constant 0 : i32
          %dma_wait3A_104 = tpu.memref_slice %arg9[%rem3A_53, %dma_wait3A_102, %dma_wait3A_103] : memref<4x128x128xf32, #tpu.memory_space<vmem>> -> memref<1x128x128xf32, #tpu.memory_space<vmem>>
          %dma_wait3A_105 = tpu.memref_squeeze %dma_wait3A_104 : memref<1x128x128xf32, #tpu.memory_space<vmem>> -> memref<128x128xf32, #tpu.memory_space<vmem>>
          %dma_wait3A_106 = arith.constant 0 : i32
          %dma_wait3A_107 = tpu.memref_slice %arg8[%scan3A_48, %dma_wait3A_106] : memref<80x128xi32, #tpu.memory_space<vmem>> -> memref<1x128xi32, #tpu.memory_space<vmem>>
          %dma_wait3A_108 = tpu.memref_squeeze %dma_wait3A_107 : memref<1x128xi32, #tpu.memory_space<vmem>> -> memref<128xi32, #tpu.memory_space<vmem>>
          %dma_wait3A_109 = arith.constant 0 : i32
          %dma_wait3A_110 = arith.constant 0 : i32
          %dma_wait3A_111 = tpu.memref_slice %arg10[%dma_wait3A_109, %dma_wait3A_110] : memref<5120x128xf32, #tpu.memory_space<vmem_shared>> -> memref<5120x128xf32, #tpu.memory_space<vmem_shared>>
          %dma_wait3A_112 = tpu.memref_slice %arg12[%rem3A_53] : memref<4x!tpu.dma_semaphore, #tpu.memory_space<semaphore_mem>> -> memref<1x!tpu.dma_semaphore, #tpu.memory_space<semaphore_mem>>
          %dma_wait3A_113 = tpu.memref_squeeze %dma_wait3A_112 : memref<1x!tpu.dma_semaphore, #tpu.memory_space<semaphore_mem>> -> memref<!tpu.dma_semaphore, #tpu.memory_space<semaphore_mem>>
          tpu.wait_indirect_dma semaphore(%dma_wait3A_113 : memref<!tpu.dma_semaphore, #tpu.memory_space<semaphore_mem>>) src(%dma_wait3A_105 : memref<128x128xf32, #tpu.memory_space<vmem>>) dst(%dma_wait3A_111 : memref<5120x128xf32, #tpu.memory_space<vmem_shared>>)
        } else {
        }
        %add3A_88 = arith.constant 2 : i32
        %add3A_89 = arith.addi %scan3A_48, %add3A_88 : i32
        %dma_start3A_90 = arith.constant 0 : i32
        %dma_start3A_91 = arith.constant 0 : i32
        %dma_start3A_92 = tpu.memref_slice %arg9[%rem3A_53, %dma_start3A_90, %dma_start3A_91] : memref<4x128x128xf32, #tpu.memory_space<vmem>> -> memref<1x128x128xf32, #tpu.memory_space<vmem>>
        %dma_start3A_93 = tpu.memref_squeeze %dma_start3A_92 : memref<1x128x128xf32, #tpu.memory_space<vmem>> -> memref<128x128xf32, #tpu.memory_space<vmem>>
        %dma_start3A_94 = arith.constant 0 : i32
        %dma_start3A_95 = tpu.memref_slice %arg7[%add3A_89, %dma_start3A_94] : memref<80x128xi32, #tpu.memory_space<vmem>> -> memref<1x128xi32, #tpu.memory_space<vmem>>
        %dma_start3A_96 = tpu.memref_squeeze %dma_start3A_95 : memref<1x128xi32, #tpu.memory_space<vmem>> -> memref<128xi32, #tpu.memory_space<vmem>>
        %dma_start3A_97 = arith.constant 0 : i32
        %dma_start3A_98 = arith.constant 0 : i32
        %dma_start3A_99 = tpu.memref_slice %arg2[%dma_start3A_97, %dma_start3A_98] : memref<5120x128xf32, #tpu.memory_space<hbm>> -> memref<5120x128xf32, #tpu.memory_space<hbm>>
        %dma_start3A_100 = tpu.memref_slice %arg11[%rem3A_53] : memref<4x!tpu.dma_semaphore, #tpu.memory_space<semaphore_mem>> -> memref<1x!tpu.dma_semaphore, #tpu.memory_space<semaphore_mem>>
        %dma_start3A_101 = tpu.memref_squeeze %dma_start3A_100 : memref<1x!tpu.dma_semaphore, #tpu.memory_space<semaphore_mem>> -> memref<!tpu.dma_semaphore, #tpu.memory_space<semaphore_mem>>
        tpu.enqueue_indirect_dma source(%dma_start3A_99 : memref<5120x128xf32, #tpu.memory_space<hbm>>) target(%dma_start3A_93 : memref<128x128xf32, #tpu.memory_space<vmem>>) offsets(%dma_start3A_96 : memref<128xi32, #tpu.memory_space<vmem>>) semaphore(%dma_start3A_101 : memref<!tpu.dma_semaphore, #tpu.memory_space<semaphore_mem>>)
      } else {
      }
      %dma_wait3A = arith.constant 0 : i32
      %dma_wait3A_58 = arith.constant 0 : i32
      %dma_wait3A_59 = tpu.memref_slice %arg9[%rem3A_49, %dma_wait3A, %dma_wait3A_58] : memref<4x128x128xf32, #tpu.memory_space<vmem>> -> memref<1x128x128xf32, #tpu.memory_space<vmem>>
      %dma_wait3A_60 = tpu.memref_squeeze %dma_wait3A_59 : memref<1x128x128xf32, #tpu.memory_space<vmem>> -> memref<128x128xf32, #tpu.memory_space<vmem>>
      %dma_wait3A_61 = arith.constant 0 : i32
      %dma_wait3A_62 = tpu.memref_slice %arg7[%scan3A_48, %dma_wait3A_61] : memref<80x128xi32, #tpu.memory_space<vmem>> -> memref<1x128xi32, #tpu.memory_space<vmem>>
      %dma_wait3A_63 = tpu.memref_squeeze %dma_wait3A_62 : memref<1x128xi32, #tpu.memory_space<vmem>> -> memref<128xi32, #tpu.memory_space<vmem>>
      %dma_wait3A_64 = arith.constant 0 : i32
      %dma_wait3A_65 = arith.constant 0 : i32
      %dma_wait3A_66 = tpu.memref_slice %arg2[%dma_wait3A_64, %dma_wait3A_65] : memref<5120x128xf32, #tpu.memory_space<hbm>> -> memref<5120x128xf32, #tpu.memory_space<hbm>>
      %dma_wait3A_67 = tpu.memref_slice %arg11[%rem3A_49] : memref<4x!tpu.dma_semaphore, #tpu.memory_space<semaphore_mem>> -> memref<1x!tpu.dma_semaphore, #tpu.memory_space<semaphore_mem>>
      %dma_wait3A_68 = tpu.memref_squeeze %dma_wait3A_67 : memref<1x!tpu.dma_semaphore, #tpu.memory_space<semaphore_mem>> -> memref<!tpu.dma_semaphore, #tpu.memory_space<semaphore_mem>>
      tpu.wait_indirect_dma semaphore(%dma_wait3A_68 : memref<!tpu.dma_semaphore, #tpu.memory_space<semaphore_mem>>) src(%dma_wait3A_66 : memref<5120x128xf32, #tpu.memory_space<hbm>>) dst(%dma_wait3A_60 : memref<128x128xf32, #tpu.memory_space<vmem>>)
      %dma_start3A_69 = arith.constant 0 : i32
      %dma_start3A_70 = arith.constant 0 : i32
      %dma_start3A_71 = tpu.memref_slice %arg9[%rem3A_49, %dma_start3A_69, %dma_start3A_70] : memref<4x128x128xf32, #tpu.memory_space<vmem>> -> memref<1x128x128xf32, #tpu.memory_space<vmem>>
      %dma_start3A_72 = tpu.memref_squeeze %dma_start3A_71 : memref<1x128x128xf32, #tpu.memory_space<vmem>> -> memref<128x128xf32, #tpu.memory_space<vmem>>
      %dma_start3A_73 = arith.constant 0 : i32
      %dma_start3A_74 = tpu.memref_slice %arg8[%scan3A_48, %dma_start3A_73] : memref<80x128xi32, #tpu.memory_space<vmem>> -> memref<1x128xi32, #tpu.memory_space<vmem>>
      %dma_start3A_75 = tpu.memref_squeeze %dma_start3A_74 : memref<1x128xi32, #tpu.memory_space<vmem>> -> memref<128xi32, #tpu.memory_space<vmem>>
      %dma_start3A_76 = arith.constant 0 : i32
      %dma_start3A_77 = arith.constant 0 : i32
      %dma_start3A_78 = tpu.memref_slice %arg10[%dma_start3A_76, %dma_start3A_77] : memref<5120x128xf32, #tpu.memory_space<vmem_shared>> -> memref<5120x128xf32, #tpu.memory_space<vmem_shared>>
      %dma_start3A_79 = tpu.memref_slice %arg12[%rem3A_49] : memref<4x!tpu.dma_semaphore, #tpu.memory_space<semaphore_mem>> -> memref<1x!tpu.dma_semaphore, #tpu.memory_space<semaphore_mem>>
      %dma_start3A_80 = tpu.memref_squeeze %dma_start3A_79 : memref<1x!tpu.dma_semaphore, #tpu.memory_space<semaphore_mem>> -> memref<!tpu.dma_semaphore, #tpu.memory_space<semaphore_mem>>
      tpu.enqueue_indirect_dma source(%dma_start3A_72 : memref<128x128xf32, #tpu.memory_space<vmem>>) target(%dma_start3A_78 : memref<5120x128xf32, #tpu.memory_space<vmem_shared>>) offsets(%dma_start3A_75 : memref<128xi32, #tpu.memory_space<vmem>>) semaphore(%dma_start3A_80 : memref<!tpu.dma_semaphore, #tpu.memory_space<semaphore_mem>>) {add = true}
    }
    %scan3A_36 = arith.constant 80 : i32
    %scan3A_37 = arith.constant 0 : i32
    %scan3A_38 = arith.constant 0 : i32
    %scan3A_39 = arith.constant 4 : i32
    %scan3A_40 = arith.addi %scan3A_38, %scan3A_39 : i32
    %scan3A_41 = arith.constant 1 : i32
    scf.for %scan3A_48 = %scan3A_38 to %scan3A_40 step %scan3A_41  : i32 {
      %add3A_49 = arith.constant 76 : i32
      %add3A_50 = arith.addi %add3A_49, %scan3A_48 : i32
      %rem3A = arith.constant 4 : i32
      %rem3A_51 = arith.remsi %add3A_50, %rem3A : i32
      %dma_wait3A = arith.constant 0 : i32
      %dma_wait3A_52 = arith.constant 0 : i32
      %dma_wait3A_53 = arith.constant 0 : i32
      %dma_wait3A_54 = tpu.memref_slice %arg9[%rem3A_51, %dma_wait3A_52, %dma_wait3A_53] : memref<4x128x128xf32, #tpu.memory_space<vmem>> -> memref<1x128x128xf32, #tpu.memory_space<vmem>>
      %dma_wait3A_55 = tpu.memref_squeeze %dma_wait3A_54 : memref<1x128x128xf32, #tpu.memory_space<vmem>> -> memref<128x128xf32, #tpu.memory_space<vmem>>
      %dma_wait3A_56 = arith.constant 0 : i32
      %dma_wait3A_57 = tpu.memref_slice %arg8[%dma_wait3A, %dma_wait3A_56] : memref<80x128xi32, #tpu.memory_space<vmem>> -> memref<1x128xi32, #tpu.memory_space<vmem>>
      %dma_wait3A_58 = tpu.memref_squeeze %dma_wait3A_57 : memref<1x128xi32, #tpu.memory_space<vmem>> -> memref<128xi32, #tpu.memory_space<vmem>>
      %dma_wait3A_59 = arith.constant 0 : i32
      %dma_wait3A_60 = arith.constant 0 : i32
      %dma_wait3A_61 = tpu.memref_slice %arg10[%dma_wait3A_59, %dma_wait3A_60] : memref<5120x128xf32, #tpu.memory_space<vmem_shared>> -> memref<5120x128xf32, #tpu.memory_space<vmem_shared>>
      %dma_wait3A_62 = tpu.memref_slice %arg12[%rem3A_51] : memref<4x!tpu.dma_semaphore, #tpu.memory_space<semaphore_mem>> -> memref<1x!tpu.dma_semaphore, #tpu.memory_space<semaphore_mem>>
      %dma_wait3A_63 = tpu.memref_squeeze %dma_wait3A_62 : memref<1x!tpu.dma_semaphore, #tpu.memory_space<semaphore_mem>> -> memref<!tpu.dma_semaphore, #tpu.memory_space<semaphore_mem>>
      tpu.wait_indirect_dma semaphore(%dma_wait3A_63 : memref<!tpu.dma_semaphore, #tpu.memory_space<semaphore_mem>>) src(%dma_wait3A_55 : memref<128x128xf32, #tpu.memory_space<vmem>>) dst(%dma_wait3A_61 : memref<5120x128xf32, #tpu.memory_space<vmem_shared>>)
    }
    %scan3A_42 = arith.constant 4 : i32
    %barrier3A_43 = arith.constant 0 : index
    tpu.barrier barrier_id(%barrier3A_43)
    %mul3A_44 = arith.constant 320 : i32
    %mul3A_45 = arith.muli %arg1, %mul3A_44 : i32
    %mul3A_46 = arith.constant 320 : i32
    %mul3A_47 = arith.muli %arg1, %mul3A_46 : i32
    "tpu.region"() ({
      %run_scoped3A = tpu.sem_alloc : memref<!tpu.dma_semaphore, #tpu.memory_space<semaphore_mem>>
      %dma_start3A_48 = arith.constant 0 : i32
      %dma_start3A_49 = tpu.memref_slice %arg6[%arg0, %mul3A_47, %dma_start3A_48] : memref<2x5120x128xf32, #tpu.memory_space<hbm>> -> memref<1x320x128xf32, #tpu.memory_space<hbm>>
      %dma_start3A_50 = tpu.memref_squeeze %dma_start3A_49 : memref<1x320x128xf32, #tpu.memory_space<hbm>> -> memref<320x128xf32, #tpu.memory_space<hbm>>
      %dma_start3A_51 = arith.constant 0 : i32
      %dma_start3A_52 = tpu.memref_slice %arg10[%mul3A_45, %dma_start3A_51] : memref<5120x128xf32, #tpu.memory_space<vmem_shared>> -> memref<320x128xf32, #tpu.memory_space<vmem_shared>>
      tpu.enqueue_dma source(%dma_start3A_52 : memref<320x128xf32, #tpu.memory_space<vmem_shared>>) target(%dma_start3A_50 : memref<320x128xf32, #tpu.memory_space<hbm>>) target_semaphore(%run_scoped3A : memref<!tpu.dma_semaphore, #tpu.memory_space<semaphore_mem>>)
      %dma_wait3A = arith.constant 0 : i32
      %dma_wait3A_53 = tpu.memref_slice %arg6[%arg0, %mul3A_47, %dma_wait3A] : memref<2x5120x128xf32, #tpu.memory_space<hbm>> -> memref<1x320x128xf32, #tpu.memory_space<hbm>>
      %dma_wait3A_54 = tpu.memref_squeeze %dma_wait3A_53 : memref<1x320x128xf32, #tpu.memory_space<hbm>> -> memref<320x128xf32, #tpu.memory_space<hbm>>
      %dma_wait3A_55 = arith.constant 0 : i32
      %dma_wait3A_56 = tpu.memref_slice %arg10[%mul3A_45, %dma_wait3A_55] : memref<5120x128xf32, #tpu.memory_space<vmem_shared>> -> memref<320x128xf32, #tpu.memory_space<vmem_shared>>
      tpu.wait_dma2 semaphore(%run_scoped3A : memref<!tpu.dma_semaphore, #tpu.memory_space<semaphore_mem>>) src(%dma_wait3A_56 : memref<320x128xf32, #tpu.memory_space<vmem_shared>>) dst(%dma_wait3A_54 : memref<320x128xf32, #tpu.memory_space<hbm>>)
      tpu.yield
    }) : () -> ()
    return
  }
}

module attributes {stable_mosaic.version = 14 : i64} {
  func.func @_pre_body(%arg0: i32, %arg1: memref<512x128xf32, #tpu.memory_space<vmem>>, %arg2: memref<128x128xf32, #tpu.memory_space<vmem>>, %arg3: memref<1x128xf32, #tpu.memory_space<vmem>>, %arg4: memref<128x128xf32, #tpu.memory_space<vmem>>, %arg5: memref<128x128xf32, #tpu.memory_space<vmem>>, %arg6: memref<512x128xf32, #tpu.memory_space<vmem>>, %arg7: memref<512x128xf32, #tpu.memory_space<vmem>>) attributes {dimension_semantics = [#tpu.dimension_semantics<arbitrary>], iteration_bounds = array<i64: 10>, scalar_prefetch = 0 : i64, scratch_operands = 0 : i64, tpu.core_type = #tpu.core_type<tc>, window_params = [{transform_indices = @transform_0, window_bounds = array<i64: 512, 128>}, {pipeline_mode = #tpu.pipeline_mode<synchronous>, transform_indices = @transform_1, window_bounds = array<i64: 128, 128>}, {pipeline_mode = #tpu.pipeline_mode<synchronous>, transform_indices = @transform_2, window_bounds = array<i64: 1, 128>}, {pipeline_mode = #tpu.pipeline_mode<synchronous>, transform_indices = @transform_3, window_bounds = array<i64: 128, 128>}, {pipeline_mode = #tpu.pipeline_mode<synchronous>, transform_indices = @transform_4, window_bounds = array<i64: 128, 128>}, {transform_indices = @transform_5, window_bounds = array<i64: 512, 128>}, {transform_indices = @transform_6, window_bounds = array<i64: 512, 128>}]} {
    %get3A = arith.constant 0 : index
    %get3A_0 = arith.constant 0 : index
    %get3A_1 = vector.load %arg1[%get3A, %get3A_0] : memref<512x128xf32, #tpu.memory_space<vmem>>, vector<512x128xf32>
    %get3A_2 = arith.constant 0 : index
    %get3A_3 = arith.constant 0 : index
    %get3A_4 = vector.load %arg2[%get3A_2, %get3A_3] : memref<128x128xf32, #tpu.memory_space<vmem>>, vector<128x128xf32>
    %dot_general3A = arith.constant dense<0.000000e+00> : vector<512x128xf32>
    %dot_general3A_5 = tpu.matmul %get3A_1, %get3A_4, %dot_general3A {dimension_numbers = #tpu.dot_dimension_numbers<[1], [0], [0], [1], [0, 0, 1, 1], [], []>, transpose_lhs_hint = false} : vector<512x128xf32>, vector<128x128xf32>, vector<512x128xf32> -> vector<512x128xf32>
    %get3A_6 = arith.constant 0 : index
    %get3A_7 = arith.constant 0 : index
    %get3A_8 = vector.load %arg3[%get3A_6, %get3A_7] : memref<1x128xf32, #tpu.memory_space<vmem>>, vector<1x128xf32>
    %add3A = vector.broadcast %get3A_8 : vector<1x128xf32> to vector<512x128xf32>
    %add3A_9 = arith.addf %dot_general3A_5, %add3A : vector<512x128xf32>
    %max3A = arith.constant 0.000000e+00 : f32
    %max3A_10 = vector.broadcast %max3A : f32 to vector<512x128xf32>
    %max3A_11 = arith.maximumf %add3A_9, %max3A_10 : vector<512x128xf32>
    %get3A_12 = arith.constant 0 : index
    %get3A_13 = arith.constant 0 : index
    %get3A_14 = vector.load %arg4[%get3A_12, %get3A_13] : memref<128x128xf32, #tpu.memory_space<vmem>>, vector<128x128xf32>
    %dot_general3A_15 = arith.constant dense<0.000000e+00> : vector<512x128xf32>
    %dot_general3A_16 = tpu.matmul %max3A_11, %get3A_14, %dot_general3A_15 {dimension_numbers = #tpu.dot_dimension_numbers<[1], [0], [0], [1], [0, 0, 1, 1], [], []>, transpose_lhs_hint = false} : vector<512x128xf32>, vector<128x128xf32>, vector<512x128xf32> -> vector<512x128xf32>
    %swap3A = arith.constant 0 : index
    %swap3A_17 = arith.constant 0 : index
    %swap3A_18 = vector.load %arg6[%swap3A, %swap3A_17] : memref<512x128xf32, #tpu.memory_space<vmem>>, vector<512x128xf32>
    tpu.vector_store %arg6[%swap3A, %swap3A_17], %dot_general3A_16 {strides = array<i32>} : memref<512x128xf32, #tpu.memory_space<vmem>>, vector<512x128xf32>,
    %get3A_19 = arith.constant 0 : index
    %get3A_20 = arith.constant 0 : index
    %get3A_21 = vector.load %arg5[%get3A_19, %get3A_20] : memref<128x128xf32, #tpu.memory_space<vmem>>, vector<128x128xf32>
    %dot_general3A_22 = arith.constant dense<0.000000e+00> : vector<512x128xf32>
    %dot_general3A_23 = tpu.matmul %max3A_11, %get3A_21, %dot_general3A_22 {dimension_numbers = #tpu.dot_dimension_numbers<[1], [0], [0], [1], [0, 0, 1, 1], [], []>, transpose_lhs_hint = false} : vector<512x128xf32>, vector<128x128xf32>, vector<512x128xf32> -> vector<512x128xf32>
    %swap3A_24 = arith.constant 0 : index
    %swap3A_25 = arith.constant 0 : index
    %swap3A_26 = vector.load %arg7[%swap3A_24, %swap3A_25] : memref<512x128xf32, #tpu.memory_space<vmem>>, vector<512x128xf32>
    tpu.vector_store %arg7[%swap3A_24, %swap3A_25], %dot_general3A_23 {strides = array<i32>} : memref<512x128xf32, #tpu.memory_space<vmem>>, vector<512x128xf32>,
    return
  }
  func.func @transform_0(%arg0: i32) -> (i32, i32) {
    %c0_i32 = arith.constant 0 : i32
    %c0_i32_0 = arith.constant 0 : i32
    return %arg0, %c0_i32 : i32, i32
  }
  func.func @transform_1(%arg0: i32) -> (i32, i32) {
    %c0_i32 = arith.constant 0 : i32
    %c0_i32_0 = arith.constant 0 : i32
    %c0_i32_1 = arith.constant 0 : i32
    return %c0_i32, %c0_i32_0 : i32, i32
  }
  func.func @transform_2(%arg0: i32) -> (i32, i32) {
    %c0_i32 = arith.constant 0 : i32
    %c0_i32_0 = arith.constant 0 : i32
    %c0_i32_1 = arith.constant 0 : i32
    return %c0_i32, %c0_i32_0 : i32, i32
  }
  func.func @transform_3(%arg0: i32) -> (i32, i32) {
    %c0_i32 = arith.constant 0 : i32
    %c0_i32_0 = arith.constant 0 : i32
    %c0_i32_1 = arith.constant 0 : i32
    return %c0_i32, %c0_i32_0 : i32, i32
  }
  func.func @transform_4(%arg0: i32) -> (i32, i32) {
    %c0_i32 = arith.constant 0 : i32
    %c0_i32_0 = arith.constant 0 : i32
    %c0_i32_1 = arith.constant 0 : i32
    return %c0_i32, %c0_i32_0 : i32, i32
  }
  func.func @transform_5(%arg0: i32) -> (i32, i32) {
    %c0_i32 = arith.constant 0 : i32
    %c0_i32_0 = arith.constant 0 : i32
    return %arg0, %c0_i32 : i32, i32
  }
  func.func @transform_6(%arg0: i32) -> (i32, i32) {
    %c0_i32 = arith.constant 0 : i32
    %c0_i32_0 = arith.constant 0 : i32
    return %arg0, %c0_i32 : i32, i32
  }
}

module attributes {stable_mosaic.version = 14 : i64} {
  func.func @_hist_body(%arg0: i32, %arg1: memref<1x1x1280xi32, #tpu.memory_space<vmem>>, %arg2: memref<1x1x1280xi32, #tpu.memory_space<vmem>>, %arg3: memref<48x128xf32, #tpu.memory_space<vmem>>, %arg4: memref<48x128xf32, #tpu.memory_space<vmem>>) attributes {dimension_semantics = [#tpu.dimension_semantics<arbitrary>], iteration_bounds = array<i64: 250>, scalar_prefetch = 0 : i64, scratch_operands = 0 : i64, tpu.core_type = #tpu.core_type<tc>, window_params = [{transform_indices = @transform_0, window_bounds = array<i64: 1, 1, 1280>}, {transform_indices = @transform_1, window_bounds = array<i64: 1, 1, 1280>}, {pipeline_mode = #tpu.pipeline_mode<synchronous>, transform_indices = @transform_2, window_bounds = array<i64: 48, 128>}, {pipeline_mode = #tpu.pipeline_mode<synchronous>, transform_indices = @transform_3, window_bounds = array<i64: 48, 128>}]} {
    %eq3A = arith.constant 0 : i32
    %eq3A_0 = arith.cmpi eq, %arg0, %eq3A : i32
    %convert_element_type3A = arith.extui %eq3A_0 : i1 to i32
    %cond3A = arith.constant 0 : i32
    %cond3A_1 = arith.cmpi ne, %convert_element_type3A, %cond3A : i32
    scf.if %cond3A_1 {
      %broadcast_in_dim3A_58 = arith.constant 0.000000e+00 : f32
      %broadcast_in_dim3A_59 = vector.broadcast %broadcast_in_dim3A_58 : f32 to vector<48x128xf32>
      %swap3A_60 = arith.constant 0 : index
      %swap3A_61 = arith.constant 0 : index
      %swap3A_62 = vector.load %arg3[%swap3A_60, %swap3A_61] : memref<48x128xf32, #tpu.memory_space<vmem>>, vector<48x128xf32>
      tpu.vector_store %arg3[%swap3A_60, %swap3A_61], %broadcast_in_dim3A_59 {strides = array<i32>} : memref<48x128xf32, #tpu.memory_space<vmem>>, vector<48x128xf32>,
      %broadcast_in_dim3A_63 = arith.constant 0.000000e+00 : f32
      %broadcast_in_dim3A_64 = vector.broadcast %broadcast_in_dim3A_63 : f32 to vector<48x128xf32>
      %swap3A_65 = arith.constant 0 : index
      %swap3A_66 = arith.constant 0 : index
      %swap3A_67 = vector.load %arg4[%swap3A_65, %swap3A_66] : memref<48x128xf32, #tpu.memory_space<vmem>>, vector<48x128xf32>
      tpu.vector_store %arg4[%swap3A_65, %swap3A_66], %broadcast_in_dim3A_64 {strides = array<i32>} : memref<48x128xf32, #tpu.memory_space<vmem>>, vector<48x128xf32>,
    } else {
    }
    %get3A = arith.constant 0 : index
    %get3A_2 = arith.constant 0 : index
    %get3A_3 = vector.load %arg3[%get3A, %get3A_2] : memref<48x128xf32, #tpu.memory_space<vmem>>, vector<48x128xf32>
    %get3A_4 = arith.constant 0 : index
    %get3A_5 = arith.constant 0 : index
    %get3A_6 = arith.constant 0 : index
    %get3A_7 = vector.load %arg1[%get3A_4, %get3A_5, %get3A_6] : memref<1x1x1280xi32, #tpu.memory_space<vmem>>, vector<1x1x1280xi32>
    %get3A_8 = vector.shape_cast %get3A_7 : vector<1x1x1280xi32> to vector<1280xi32>
    %shift_right_logical3A = arith.constant 7 : i32
    %shift_right_logical3A_9 = vector.broadcast %shift_right_logical3A : i32 to vector<1280xi32>
    %shift_right_logical3A_10 = arith.shrui %get3A_8, %shift_right_logical3A_9 : vector<1280xi32>
    %and3A = arith.constant 127 : i32
    %and3A_11 = vector.broadcast %and3A : i32 to vector<1280xi32>
    %and3A_12 = arith.andi %get3A_8, %and3A_11 : vector<1280xi32>
    %broadcast_in_dim3A = vector.shape_cast %shift_right_logical3A_10 : vector<1280xi32> to vector<1280x1xi32>
    %iota3A = tpu.iota {dimensions = array<i32: 1>} : vector<1280x48xi32>
    %eq3A_13 = vector.broadcast %broadcast_in_dim3A : vector<1280x1xi32> to vector<1280x48xi32>
    %eq3A_14 = arith.cmpi eq, %eq3A_13, %iota3A : vector<1280x48xi32>
    %convert_element_type3A_15 = arith.extui %eq3A_14 : vector<1280x48xi1> to vector<1280x48xi32>
    %convert_element_type3A_16 = arith.sitofp %convert_element_type3A_15 : vector<1280x48xi32> to vector<1280x48xf32>
    %broadcast_in_dim3A_17 = vector.shape_cast %and3A_12 : vector<1280xi32> to vector<1280x1xi32>
    %iota3A_18 = tpu.iota {dimensions = array<i32: 1>} : vector<1280x128xi32>
    %eq3A_19 = vector.broadcast %broadcast_in_dim3A_17 : vector<1280x1xi32> to vector<1280x128xi32>
    %eq3A_20 = arith.cmpi eq, %eq3A_19, %iota3A_18 : vector<1280x128xi32>
    %convert_element_type3A_21 = arith.extui %eq3A_20 : vector<1280x128xi1> to vector<1280x128xi32>
    %convert_element_type3A_22 = arith.sitofp %convert_element_type3A_21 : vector<1280x128xi32> to vector<1280x128xf32>
    %dot_general3A = arith.constant dense<0.000000e+00> : vector<48x128xf32>
    %dot_general3A_23 = tpu.matmul %convert_element_type3A_16, %convert_element_type3A_22, %dot_general3A {dimension_numbers = #tpu.dot_dimension_numbers<[0], [0], [1], [1], [0, 1, 1, 1], [], []>, transpose_lhs_hint = false} : vector<1280x48xf32>, vector<1280x128xf32>, vector<48x128xf32> -> vector<48x128xf32>
    %add3A = arith.addf %get3A_3, %dot_general3A_23 : vector<48x128xf32>
    %swap3A = arith.constant 0 : index
    %swap3A_24 = arith.constant 0 : index
    %swap3A_25 = vector.load %arg3[%swap3A, %swap3A_24] : memref<48x128xf32, #tpu.memory_space<vmem>>, vector<48x128xf32>
    tpu.vector_store %arg3[%swap3A, %swap3A_24], %add3A {strides = array<i32>} : memref<48x128xf32, #tpu.memory_space<vmem>>, vector<48x128xf32>,
    %get3A_26 = arith.constant 0 : index
    %get3A_27 = arith.constant 0 : index
    %get3A_28 = vector.load %arg4[%get3A_26, %get3A_27] : memref<48x128xf32, #tpu.memory_space<vmem>>, vector<48x128xf32>
    %get3A_29 = arith.constant 0 : index
    %get3A_30 = arith.constant 0 : index
    %get3A_31 = arith.constant 0 : index
    %get3A_32 = vector.load %arg2[%get3A_29, %get3A_30, %get3A_31] : memref<1x1x1280xi32, #tpu.memory_space<vmem>>, vector<1x1x1280xi32>
    %get3A_33 = vector.shape_cast %get3A_32 : vector<1x1x1280xi32> to vector<1280xi32>
    %shift_right_logical3A_34 = arith.constant 7 : i32
    %shift_right_logical3A_35 = vector.broadcast %shift_right_logical3A_34 : i32 to vector<1280xi32>
    %shift_right_logical3A_36 = arith.shrui %get3A_33, %shift_right_logical3A_35 : vector<1280xi32>
    %and3A_37 = arith.constant 127 : i32
    %and3A_38 = vector.broadcast %and3A_37 : i32 to vector<1280xi32>
    %and3A_39 = arith.andi %get3A_33, %and3A_38 : vector<1280xi32>
    %broadcast_in_dim3A_40 = vector.shape_cast %shift_right_logical3A_36 : vector<1280xi32> to vector<1280x1xi32>
    %iota3A_41 = tpu.iota {dimensions = array<i32: 1>} : vector<1280x48xi32>
    %eq3A_42 = vector.broadcast %broadcast_in_dim3A_40 : vector<1280x1xi32> to vector<1280x48xi32>
    %eq3A_43 = arith.cmpi eq, %eq3A_42, %iota3A_41 : vector<1280x48xi32>
    %convert_element_type3A_44 = arith.extui %eq3A_43 : vector<1280x48xi1> to vector<1280x48xi32>
    %convert_element_type3A_45 = arith.sitofp %convert_element_type3A_44 : vector<1280x48xi32> to vector<1280x48xf32>
    %broadcast_in_dim3A_46 = vector.shape_cast %and3A_39 : vector<1280xi32> to vector<1280x1xi32>
    %iota3A_47 = tpu.iota {dimensions = array<i32: 1>} : vector<1280x128xi32>
    %eq3A_48 = vector.broadcast %broadcast_in_dim3A_46 : vector<1280x1xi32> to vector<1280x128xi32>
    %eq3A_49 = arith.cmpi eq, %eq3A_48, %iota3A_47 : vector<1280x128xi32>
    %convert_element_type3A_50 = arith.extui %eq3A_49 : vector<1280x128xi1> to vector<1280x128xi32>
    %convert_element_type3A_51 = arith.sitofp %convert_element_type3A_50 : vector<1280x128xi32> to vector<1280x128xf32>
    %dot_general3A_52 = arith.constant dense<0.000000e+00> : vector<48x128xf32>
    %dot_general3A_53 = tpu.matmul %convert_element_type3A_45, %convert_element_type3A_51, %dot_general3A_52 {dimension_numbers = #tpu.dot_dimension_numbers<[0], [0], [1], [1], [0, 1, 1, 1], [], []>, transpose_lhs_hint = false} : vector<1280x48xf32>, vector<1280x128xf32>, vector<48x128xf32> -> vector<48x128xf32>
    %add3A_54 = arith.addf %get3A_28, %dot_general3A_53 : vector<48x128xf32>
    %swap3A_55 = arith.constant 0 : index
    %swap3A_56 = arith.constant 0 : index
    %swap3A_57 = vector.load %arg4[%swap3A_55, %swap3A_56] : memref<48x128xf32, #tpu.memory_space<vmem>>, vector<48x128xf32>
    tpu.vector_store %arg4[%swap3A_55, %swap3A_56], %add3A_54 {strides = array<i32>} : memref<48x128xf32, #tpu.memory_space<vmem>>, vector<48x128xf32>,
    return
  }
  func.func @transform_0(%arg0: i32) -> (i32, i32, i32) {
    %c0_i32 = arith.constant 0 : i32
    %c0_i32_0 = arith.constant 0 : i32
    %c0_i32_1 = arith.constant 0 : i32
    return %arg0, %c0_i32, %c0_i32_0 : i32, i32, i32
  }
  func.func @transform_1(%arg0: i32) -> (i32, i32, i32) {
    %c0_i32 = arith.constant 0 : i32
    %c0_i32_0 = arith.constant 0 : i32
    %c0_i32_1 = arith.constant 0 : i32
    return %arg0, %c0_i32, %c0_i32_0 : i32, i32, i32
  }
  func.func @transform_2(%arg0: i32) -> (i32, i32) {
    %c0_i32 = arith.constant 0 : i32
    %c0_i32_0 = arith.constant 0 : i32
    %c0_i32_1 = arith.constant 0 : i32
    return %c0_i32, %c0_i32_0 : i32, i32
  }
  func.func @transform_3(%arg0: i32) -> (i32, i32) {
    %c0_i32 = arith.constant 0 : i32
    %c0_i32_0 = arith.constant 0 : i32
    %c0_i32_1 = arith.constant 0 : i32
    return %c0_i32, %c0_i32_0 : i32, i32
  }
}

module attributes {stable_mosaic.version = 14 : i64} {
  func.func @_fb_body(%arg0: i32, %arg1: memref<512x128xf32, #tpu.memory_space<vmem>>, %arg2: memref<128x128xf32, #tpu.memory_space<vmem>>, %arg3: memref<1x128xf32, #tpu.memory_space<vmem>>, %arg4: memref<128x128xf32, #tpu.memory_space<vmem>>, %arg5: memref<1x128xf32, #tpu.memory_space<vmem>>, %arg6: memref<512x128xf32, #tpu.memory_space<vmem>>) attributes {dimension_semantics = [#tpu.dimension_semantics<arbitrary>], iteration_bounds = array<i64: 20>, scalar_prefetch = 0 : i64, scratch_operands = 0 : i64, tpu.core_type = #tpu.core_type<tc>, window_params = [{transform_indices = @transform_0, window_bounds = array<i64: 512, 128>}, {pipeline_mode = #tpu.pipeline_mode<synchronous>, transform_indices = @transform_1, window_bounds = array<i64: 128, 128>}, {pipeline_mode = #tpu.pipeline_mode<synchronous>, transform_indices = @transform_2, window_bounds = array<i64: 1, 128>}, {pipeline_mode = #tpu.pipeline_mode<synchronous>, transform_indices = @transform_3, window_bounds = array<i64: 128, 128>}, {pipeline_mode = #tpu.pipeline_mode<synchronous>, transform_indices = @transform_4, window_bounds = array<i64: 1, 128>}, {transform_indices = @transform_5, window_bounds = array<i64: 512, 128>}]} {
    %get3A = arith.constant 0 : index
    %get3A_0 = arith.constant 0 : index
    %get3A_1 = vector.load %arg1[%get3A, %get3A_0] : memref<512x128xf32, #tpu.memory_space<vmem>>, vector<512x128xf32>
    %get3A_2 = arith.constant 0 : index
    %get3A_3 = arith.constant 0 : index
    %get3A_4 = vector.load %arg2[%get3A_2, %get3A_3] : memref<128x128xf32, #tpu.memory_space<vmem>>, vector<128x128xf32>
    %dot_general3A = arith.constant dense<0.000000e+00> : vector<512x128xf32>
    %dot_general3A_5 = tpu.matmul %get3A_1, %get3A_4, %dot_general3A {dimension_numbers = #tpu.dot_dimension_numbers<[1], [0], [0], [1], [0, 0, 1, 1], [], []>, transpose_lhs_hint = false} : vector<512x128xf32>, vector<128x128xf32>, vector<512x128xf32> -> vector<512x128xf32>
    %get3A_6 = arith.constant 0 : index
    %get3A_7 = arith.constant 0 : index
    %get3A_8 = vector.load %arg3[%get3A_6, %get3A_7] : memref<1x128xf32, #tpu.memory_space<vmem>>, vector<1x128xf32>
    %add3A = vector.broadcast %get3A_8 : vector<1x128xf32> to vector<512x128xf32>
    %add3A_9 = arith.addf %dot_general3A_5, %add3A : vector<512x128xf32>
    %max3A = arith.constant 0.000000e+00 : f32
    %max3A_10 = vector.broadcast %max3A : f32 to vector<512x128xf32>
    %max3A_11 = arith.maximumf %add3A_9, %max3A_10 : vector<512x128xf32>
    %get3A_12 = arith.constant 0 : index
    %get3A_13 = arith.constant 0 : index
    %get3A_14 = vector.load %arg4[%get3A_12, %get3A_13] : memref<128x128xf32, #tpu.memory_space<vmem>>, vector<128x128xf32>
    %dot_general3A_15 = arith.constant dense<0.000000e+00> : vector<512x128xf32>
    %dot_general3A_16 = tpu.matmul %max3A_11, %get3A_14, %dot_general3A_15 {dimension_numbers = #tpu.dot_dimension_numbers<[1], [0], [0], [1], [0, 0, 1, 1], [], []>, transpose_lhs_hint = false} : vector<512x128xf32>, vector<128x128xf32>, vector<512x128xf32> -> vector<512x128xf32>
    %get3A_17 = arith.constant 0 : index
    %get3A_18 = arith.constant 0 : index
    %get3A_19 = vector.load %arg5[%get3A_17, %get3A_18] : memref<1x128xf32, #tpu.memory_space<vmem>>, vector<1x128xf32>
    %add3A_20 = vector.broadcast %get3A_19 : vector<1x128xf32> to vector<512x128xf32>
    %add3A_21 = arith.addf %dot_general3A_16, %add3A_20 : vector<512x128xf32>
    %swap3A = arith.constant 0 : index
    %swap3A_22 = arith.constant 0 : index
    %swap3A_23 = vector.load %arg6[%swap3A, %swap3A_22] : memref<512x128xf32, #tpu.memory_space<vmem>>, vector<512x128xf32>
    tpu.vector_store %arg6[%swap3A, %swap3A_22], %add3A_21 {strides = array<i32>} : memref<512x128xf32, #tpu.memory_space<vmem>>, vector<512x128xf32>,
    return
  }
  func.func @transform_0(%arg0: i32) -> (i32, i32) {
    %c0_i32 = arith.constant 0 : i32
    %c0_i32_0 = arith.constant 0 : i32
    return %arg0, %c0_i32 : i32, i32
  }
  func.func @transform_1(%arg0: i32) -> (i32, i32) {
    %c0_i32 = arith.constant 0 : i32
    %c0_i32_0 = arith.constant 0 : i32
    %c0_i32_1 = arith.constant 0 : i32
    return %c0_i32, %c0_i32_0 : i32, i32
  }
  func.func @transform_2(%arg0: i32) -> (i32, i32) {
    %c0_i32 = arith.constant 0 : i32
    %c0_i32_0 = arith.constant 0 : i32
    %c0_i32_1 = arith.constant 0 : i32
    return %c0_i32, %c0_i32_0 : i32, i32
  }
  func.func @transform_3(%arg0: i32) -> (i32, i32) {
    %c0_i32 = arith.constant 0 : i32
    %c0_i32_0 = arith.constant 0 : i32
    %c0_i32_1 = arith.constant 0 : i32
    return %c0_i32, %c0_i32_0 : i32, i32
  }
  func.func @transform_4(%arg0: i32) -> (i32, i32) {
    %c0_i32 = arith.constant 0 : i32
    %c0_i32_0 = arith.constant 0 : i32
    %c0_i32_1 = arith.constant 0 : i32
    return %c0_i32, %c0_i32_0 : i32, i32
  }
  func.func @transform_5(%arg0: i32) -> (i32, i32) {
    %c0_i32 = arith.constant 0 : i32
    %c0_i32_0 = arith.constant 0 : i32
    return %arg0, %c0_i32 : i32, i32
  }
}

module attributes {stable_mosaic.version = 14 : i64} {
  func.func @_mid_body(%arg0: i32, %arg1: memref<2x512x128xf32, #tpu.memory_space<vmem>>, %arg2: memref<512x1xf32, #tpu.memory_space<vmem>>, %arg3: memref<1x128xf32, #tpu.memory_space<vmem>>, %arg4: memref<128x128xf32, #tpu.memory_space<vmem>>, %arg5: memref<512x128xf32, #tpu.memory_space<vmem>>, %arg6: memref<128x1xf32, #tpu.memory_space<vmem>>, %arg7: memref<1x1xf32, #tpu.memory_space<vmem>>, %arg8: memref<512x128xf32, #tpu.memory_space<vmem>>, %arg9: memref<512x1xf32, #tpu.memory_space<vmem>>) attributes {dimension_semantics = [#tpu.dimension_semantics<arbitrary>], iteration_bounds = array<i64: 10>, scalar_prefetch = 0 : i64, scratch_operands = 0 : i64, tpu.core_type = #tpu.core_type<tc>, window_params = [{transform_indices = @transform_0, window_bounds = array<i64: 2, 512, 128>}, {transform_indices = @transform_1, window_bounds = array<i64: 512, 1>}, {pipeline_mode = #tpu.pipeline_mode<synchronous>, transform_indices = @transform_2, window_bounds = array<i64: 1, 128>}, {pipeline_mode = #tpu.pipeline_mode<synchronous>, transform_indices = @transform_3, window_bounds = array<i64: 128, 128>}, {transform_indices = @transform_4, window_bounds = array<i64: 512, 128>}, {pipeline_mode = #tpu.pipeline_mode<synchronous>, transform_indices = @transform_5, window_bounds = array<i64: 128, 1>}, {pipeline_mode = #tpu.pipeline_mode<synchronous>, transform_indices = @transform_6, window_bounds = array<i64: 1, 1>}, {transform_indices = @transform_7, window_bounds = array<i64: 512, 128>}, {transform_indices = @transform_8, window_bounds = array<i64: 512, 1>}]} {
    %get3A = arith.constant 0 : index
    %get3A_0 = arith.constant 0 : index
    %get3A_1 = arith.constant 0 : index
    %get3A_2 = vector.load %arg1[%get3A, %get3A_0, %get3A_1] : memref<2x512x128xf32, #tpu.memory_space<vmem>>, vector<1x512x128xf32>
    %get3A_3 = vector.shape_cast %get3A_2 : vector<1x512x128xf32> to vector<512x128xf32>
    %get3A_4 = arith.constant 1 : index
    %get3A_5 = arith.constant 0 : index
    %get3A_6 = arith.constant 0 : index
    %get3A_7 = vector.load %arg1[%get3A_4, %get3A_5, %get3A_6] : memref<2x512x128xf32, #tpu.memory_space<vmem>>, vector<1x512x128xf32>
    %get3A_8 = vector.shape_cast %get3A_7 : vector<1x512x128xf32> to vector<512x128xf32>
    %add3A = arith.addf %get3A_3, %get3A_8 : vector<512x128xf32>
    %get3A_9 = arith.constant 0 : index
    %get3A_10 = arith.constant 0 : index
    %get3A_11 = vector.load %arg2[%get3A_9, %get3A_10] : memref<512x1xf32, #tpu.memory_space<vmem>>, vector<512x1xf32>
    %add3A_12 = arith.constant 1.000000e+00 : f32
    %add3A_13 = vector.broadcast %add3A_12 : f32 to vector<512x1xf32>
    %add3A_14 = arith.addf %get3A_11, %add3A_13 : vector<512x1xf32>
    %rsqrt3A = math.rsqrt %add3A_14 : vector<512x1xf32>
    %mul3A = vector.broadcast %rsqrt3A : vector<512x1xf32> to vector<512x128xf32>
    %mul3A_15 = arith.mulf %add3A, %mul3A : vector<512x128xf32>
    %get3A_16 = arith.constant 0 : index
    %get3A_17 = arith.constant 0 : index
    %get3A_18 = vector.load %arg3[%get3A_16, %get3A_17] : memref<1x128xf32, #tpu.memory_space<vmem>>, vector<1x128xf32>
    %add3A_19 = vector.broadcast %get3A_18 : vector<1x128xf32> to vector<512x128xf32>
    %add3A_20 = arith.addf %mul3A_15, %add3A_19 : vector<512x128xf32>
    %max3A = arith.constant 0.000000e+00 : f32
    %max3A_21 = vector.broadcast %max3A : f32 to vector<512x128xf32>
    %max3A_22 = arith.maximumf %add3A_20, %max3A_21 : vector<512x128xf32>
    %get3A_23 = arith.constant 0 : index
    %get3A_24 = arith.constant 0 : index
    %get3A_25 = vector.load %arg4[%get3A_23, %get3A_24] : memref<128x128xf32, #tpu.memory_space<vmem>>, vector<128x128xf32>
    %dot_general3A = arith.constant dense<0.000000e+00> : vector<512x128xf32>
    %dot_general3A_26 = tpu.matmul %max3A_22, %get3A_25, %dot_general3A {dimension_numbers = #tpu.dot_dimension_numbers<[1], [0], [0], [1], [0, 0, 1, 1], [], []>, transpose_lhs_hint = false} : vector<512x128xf32>, vector<128x128xf32>, vector<512x128xf32> -> vector<512x128xf32>
    %swap3A = arith.constant 0 : index
    %swap3A_27 = arith.constant 0 : index
    %swap3A_28 = vector.load %arg8[%swap3A, %swap3A_27] : memref<512x128xf32, #tpu.memory_space<vmem>>, vector<512x128xf32>
    tpu.vector_store %arg8[%swap3A, %swap3A_27], %dot_general3A_26 {strides = array<i32>} : memref<512x128xf32, #tpu.memory_space<vmem>>, vector<512x128xf32>,
    %get3A_29 = arith.constant 0 : index
    %get3A_30 = arith.constant 0 : index
    %get3A_31 = vector.load %arg5[%get3A_29, %get3A_30] : memref<512x128xf32, #tpu.memory_space<vmem>>, vector<512x128xf32>
    %mul3A_32 = arith.mulf %max3A_22, %get3A_31 : vector<512x128xf32>
    %get3A_33 = arith.constant 0 : index
    %get3A_34 = arith.constant 0 : index
    %get3A_35 = vector.load %arg6[%get3A_33, %get3A_34] : memref<128x1xf32, #tpu.memory_space<vmem>>, vector<128x1xf32>
    %dot_general3A_36 = arith.constant dense<0.000000e+00> : vector<512x1xf32>
    %dot_general3A_37 = tpu.matmul %mul3A_32, %get3A_35, %dot_general3A_36 {dimension_numbers = #tpu.dot_dimension_numbers<[1], [0], [0], [1], [0, 0, 1, 1], [], []>, transpose_lhs_hint = false} : vector<512x128xf32>, vector<128x1xf32>, vector<512x1xf32> -> vector<512x1xf32>
    %get3A_38 = arith.constant 0 : index
    %get3A_39 = arith.constant 0 : index
    %get3A_40 = vector.load %arg7[%get3A_38, %get3A_39] : memref<1x1xf32, #tpu.memory_space<vmem>>, vector<1x1xf32>
    %add3A_41 = vector.broadcast %get3A_40 : vector<1x1xf32> to vector<512x1xf32>
    %add3A_42 = arith.addf %dot_general3A_37, %add3A_41 : vector<512x1xf32>
    %swap3A_43 = arith.constant 0 : index
    %swap3A_44 = arith.constant 0 : index
    %swap3A_45 = vector.load %arg9[%swap3A_43, %swap3A_44] : memref<512x1xf32, #tpu.memory_space<vmem>>, vector<512x1xf32>
    tpu.vector_store %arg9[%swap3A_43, %swap3A_44], %add3A_42 {strides = array<i32>} : memref<512x1xf32, #tpu.memory_space<vmem>>, vector<512x1xf32>,
    return
  }
  func.func @transform_0(%arg0: i32) -> (i32, i32, i32) {
    %c0_i32 = arith.constant 0 : i32
    %c0_i32_0 = arith.constant 0 : i32
    %c0_i32_1 = arith.constant 0 : i32
    return %c0_i32, %arg0, %c0_i32_0 : i32, i32, i32
  }
  func.func @transform_1(%arg0: i32) -> (i32, i32) {
    %c0_i32 = arith.constant 0 : i32
    %c0_i32_0 = arith.constant 0 : i32
    return %arg0, %c0_i32 : i32, i32
  }
  func.func @transform_2(%arg0: i32) -> (i32, i32) {
    %c0_i32 = arith.constant 0 : i32
    %c0_i32_0 = arith.constant 0 : i32
    %c0_i32_1 = arith.constant 0 : i32
    return %c0_i32, %c0_i32_0 : i32, i32
  }
  func.func @transform_3(%arg0: i32) -> (i32, i32) {
    %c0_i32 = arith.constant 0 : i32
    %c0_i32_0 = arith.constant 0 : i32
    %c0_i32_1 = arith.constant 0 : i32
    return %c0_i32, %c0_i32_0 : i32, i32
  }
  func.func @transform_4(%arg0: i32) -> (i32, i32) {
    %c0_i32 = arith.constant 0 : i32
    %c0_i32_0 = arith.constant 0 : i32
    return %arg0, %c0_i32 : i32, i32
  }
  func.func @transform_5(%arg0: i32) -> (i32, i32) {
    %c0_i32 = arith.constant 0 : i32
    %c0_i32_0 = arith.constant 0 : i32
    %c0_i32_1 = arith.constant 0 : i32
    return %c0_i32, %c0_i32_0 : i32, i32
  }
  func.func @transform_6(%arg0: i32) -> (i32, i32) {
    %c0_i32 = arith.constant 0 : i32
    %c0_i32_0 = arith.constant 0 : i32
    %c0_i32_1 = arith.constant 0 : i32
    return %c0_i32, %c0_i32_0 : i32, i32
  }
  func.func @transform_7(%arg0: i32) -> (i32, i32) {
    %c0_i32 = arith.constant 0 : i32
    %c0_i32_0 = arith.constant 0 : i32
    return %arg0, %c0_i32 : i32, i32
  }
  func.func @transform_8(%arg0: i32) -> (i32, i32) {
    %c0_i32 = arith.constant 0 : i32
    %c0_i32_0 = arith.constant 0 : i32
    return %arg0, %c0_i32 : i32, i32
  }
}

module attributes {stable_mosaic.version = 14 : i64} {
  func.func @_post_body(%arg0: i32, %arg1: memref<2x512x128xf32, #tpu.memory_space<vmem>>, %arg2: memref<512x1xf32, #tpu.memory_space<vmem>>, %arg3: memref<512x128xf32, #tpu.memory_space<vmem>>, %arg4: memref<1x128xf32, #tpu.memory_space<vmem>>, %arg5: memref<512x128xf32, #tpu.memory_space<vmem>>, %arg6: memref<128x1xf32, #tpu.memory_space<vmem>>, %arg7: memref<1x1xf32, #tpu.memory_space<vmem>>, %arg8: memref<512x1xf32, #tpu.memory_space<vmem>>) attributes {dimension_semantics = [#tpu.dimension_semantics<arbitrary>], iteration_bounds = array<i64: 10>, scalar_prefetch = 0 : i64, scratch_operands = 0 : i64, tpu.core_type = #tpu.core_type<tc>, window_params = [{transform_indices = @transform_0, window_bounds = array<i64: 2, 512, 128>}, {transform_indices = @transform_1, window_bounds = array<i64: 512, 1>}, {transform_indices = @transform_2, window_bounds = array<i64: 512, 128>}, {pipeline_mode = #tpu.pipeline_mode<synchronous>, transform_indices = @transform_3, window_bounds = array<i64: 1, 128>}, {transform_indices = @transform_4, window_bounds = array<i64: 512, 128>}, {pipeline_mode = #tpu.pipeline_mode<synchronous>, transform_indices = @transform_5, window_bounds = array<i64: 128, 1>}, {pipeline_mode = #tpu.pipeline_mode<synchronous>, transform_indices = @transform_6, window_bounds = array<i64: 1, 1>}, {transform_indices = @transform_7, window_bounds = array<i64: 512, 1>}]} {
    %get3A = arith.constant 0 : index
    %get3A_0 = arith.constant 0 : index
    %get3A_1 = arith.constant 0 : index
    %get3A_2 = vector.load %arg1[%get3A, %get3A_0, %get3A_1] : memref<2x512x128xf32, #tpu.memory_space<vmem>>, vector<1x512x128xf32>
    %get3A_3 = vector.shape_cast %get3A_2 : vector<1x512x128xf32> to vector<512x128xf32>
    %get3A_4 = arith.constant 1 : index
    %get3A_5 = arith.constant 0 : index
    %get3A_6 = arith.constant 0 : index
    %get3A_7 = vector.load %arg1[%get3A_4, %get3A_5, %get3A_6] : memref<2x512x128xf32, #tpu.memory_space<vmem>>, vector<1x512x128xf32>
    %get3A_8 = vector.shape_cast %get3A_7 : vector<1x512x128xf32> to vector<512x128xf32>
    %add3A = arith.addf %get3A_3, %get3A_8 : vector<512x128xf32>
    %get3A_9 = arith.constant 0 : index
    %get3A_10 = arith.constant 0 : index
    %get3A_11 = vector.load %arg2[%get3A_9, %get3A_10] : memref<512x1xf32, #tpu.memory_space<vmem>>, vector<512x1xf32>
    %add3A_12 = arith.constant 1.000000e+00 : f32
    %add3A_13 = vector.broadcast %add3A_12 : f32 to vector<512x1xf32>
    %add3A_14 = arith.addf %get3A_11, %add3A_13 : vector<512x1xf32>
    %rsqrt3A = math.rsqrt %add3A_14 : vector<512x1xf32>
    %mul3A = vector.broadcast %rsqrt3A : vector<512x1xf32> to vector<512x128xf32>
    %mul3A_15 = arith.mulf %add3A, %mul3A : vector<512x128xf32>
    %get3A_16 = arith.constant 0 : index
    %get3A_17 = arith.constant 0 : index
    %get3A_18 = vector.load %arg3[%get3A_16, %get3A_17] : memref<512x128xf32, #tpu.memory_space<vmem>>, vector<512x128xf32>
    %mul3A_19 = arith.mulf %rsqrt3A, %rsqrt3A : vector<512x1xf32>
    %mul3A_20 = vector.broadcast %mul3A_19 : vector<512x1xf32> to vector<512x128xf32>
    %mul3A_21 = arith.mulf %get3A_18, %mul3A_20 : vector<512x128xf32>
    %add3A_22 = arith.addf %mul3A_15, %mul3A_21 : vector<512x128xf32>
    %get3A_23 = arith.constant 0 : index
    %get3A_24 = arith.constant 0 : index
    %get3A_25 = vector.load %arg4[%get3A_23, %get3A_24] : memref<1x128xf32, #tpu.memory_space<vmem>>, vector<1x128xf32>
    %add3A_26 = vector.broadcast %get3A_25 : vector<1x128xf32> to vector<512x128xf32>
    %add3A_27 = arith.addf %add3A_22, %add3A_26 : vector<512x128xf32>
    %max3A = arith.constant 0.000000e+00 : f32
    %max3A_28 = vector.broadcast %max3A : f32 to vector<512x128xf32>
    %max3A_29 = arith.maximumf %add3A_27, %max3A_28 : vector<512x128xf32>
    %get3A_30 = arith.constant 0 : index
    %get3A_31 = arith.constant 0 : index
    %get3A_32 = vector.load %arg5[%get3A_30, %get3A_31] : memref<512x128xf32, #tpu.memory_space<vmem>>, vector<512x128xf32>
    %mul3A_33 = arith.mulf %max3A_29, %get3A_32 : vector<512x128xf32>
    %get3A_34 = arith.constant 0 : index
    %get3A_35 = arith.constant 0 : index
    %get3A_36 = vector.load %arg6[%get3A_34, %get3A_35] : memref<128x1xf32, #tpu.memory_space<vmem>>, vector<128x1xf32>
    %dot_general3A = arith.constant dense<0.000000e+00> : vector<512x1xf32>
    %dot_general3A_37 = tpu.matmul %mul3A_33, %get3A_36, %dot_general3A {dimension_numbers = #tpu.dot_dimension_numbers<[1], [0], [0], [1], [0, 0, 1, 1], [], []>, transpose_lhs_hint = false} : vector<512x128xf32>, vector<128x1xf32>, vector<512x1xf32> -> vector<512x1xf32>
    %get3A_38 = arith.constant 0 : index
    %get3A_39 = arith.constant 0 : index
    %get3A_40 = vector.load %arg7[%get3A_38, %get3A_39] : memref<1x1xf32, #tpu.memory_space<vmem>>, vector<1x1xf32>
    %add3A_41 = vector.broadcast %get3A_40 : vector<1x1xf32> to vector<512x1xf32>
    %add3A_42 = arith.addf %dot_general3A_37, %add3A_41 : vector<512x1xf32>
    %swap3A = arith.constant 0 : index
    %swap3A_43 = arith.constant 0 : index
    %swap3A_44 = vector.load %arg8[%swap3A, %swap3A_43] : memref<512x1xf32, #tpu.memory_space<vmem>>, vector<512x1xf32>
    tpu.vector_store %arg8[%swap3A, %swap3A_43], %add3A_42 {strides = array<i32>} : memref<512x1xf32, #tpu.memory_space<vmem>>, vector<512x1xf32>,
    return
  }
  func.func @transform_0(%arg0: i32) -> (i32, i32, i32) {
    %c0_i32 = arith.constant 0 : i32
    %c0_i32_0 = arith.constant 0 : i32
    %c0_i32_1 = arith.constant 0 : i32
    return %c0_i32, %arg0, %c0_i32_0 : i32, i32, i32
  }
  func.func @transform_1(%arg0: i32) -> (i32, i32) {
    %c0_i32 = arith.constant 0 : i32
    %c0_i32_0 = arith.constant 0 : i32
    return %arg0, %c0_i32 : i32, i32
  }
  func.func @transform_2(%arg0: i32) -> (i32, i32) {
    %c0_i32 = arith.constant 0 : i32
    %c0_i32_0 = arith.constant 0 : i32
    return %arg0, %c0_i32 : i32, i32
  }
  func.func @transform_3(%arg0: i32) -> (i32, i32) {
    %c0_i32 = arith.constant 0 : i32
    %c0_i32_0 = arith.constant 0 : i32
    %c0_i32_1 = arith.constant 0 : i32
    return %c0_i32, %c0_i32_0 : i32, i32
  }
  func.func @transform_4(%arg0: i32) -> (i32, i32) {
    %c0_i32 = arith.constant 0 : i32
    %c0_i32_0 = arith.constant 0 : i32
    return %arg0, %c0_i32 : i32, i32
  }
  func.func @transform_5(%arg0: i32) -> (i32, i32) {
    %c0_i32 = arith.constant 0 : i32
    %c0_i32_0 = arith.constant 0 : i32
    %c0_i32_1 = arith.constant 0 : i32
    return %c0_i32, %c0_i32_0 : i32, i32
  }
  func.func @transform_6(%arg0: i32) -> (i32, i32) {
    %c0_i32 = arith.constant 0 : i32
    %c0_i32_0 = arith.constant 0 : i32
    %c0_i32_1 = arith.constant 0 : i32
    return %c0_i32, %c0_i32_0 : i32, i32
  }
  func.func @transform_7(%arg0: i32) -> (i32, i32) {
    %c0_i32 = arith.constant 0 : i32
    %c0_i32_0 = arith.constant 0 : i32
    return %arg0, %c0_i32 : i32, i32
  }
}

</mosaic_0001>

<sc_bundles>
// kernel: sc_segment_sum.4.cloned.1.call-start
scs
__scs_entry_jumppad:
0x0: {  	(pc) =	sbr.rel $0x88, $3  }
0x1: {  	(tag) =	ssettag $0x0;
	lr =	simm.s32 $0x1  }
0x2: {  	[smem:$0x3F91] =	sst lr;
	_ =	strace $0xD0000000  }
0x3: {  	_ = 	snop  }
0x4: {  	_ = 	snop  }
0x5: {  	_ = 	snop  }
0x6: {  	_ = 	snop  }
0x7: {  	_ = 	snop  }
__scs_overlays_trampoline_lowered:
0x8: {  	[smem:$0x3FA0] =	sst s0  }
0x9: {  	[smem:$0x3FA1] =	sst s1  }
0xa: {  	[smem:$0x3FA2] =	sst s2  }
0xb: {  	[smem:$0x3FA3] =	sst s3  }
0xc: {  	[smem:$0x3FA4] =	sst s4  }
0xd: {  	[smem:$0x3FA5] =	sst s5  }
0xe: {  	[smem:$0x3FA6] =	sst s6  }
0xf: {  	[smem:$0x3FA7] =	sst s7  }
0x10: {  	[smem:$0x3FA8] =	sst s8  }
0x11: {  	[smem:$0x3FA9] =	sst s9;
	s0 =	simm.s32 @!p0 $0x0  }
0x12: {  	s1 =	sld [smem:$0x3F8F];
	s0 =	simm.s32 @p0 $0x1  }
0x13: {  	[smem:$0x3FAA] =	sst s0;
	s0 =	simm.s32 @!p1 $0x0  }
0x14: {  	s2 =	sld [smem:$0x3F8E];
	s0 =	simm.s32 @p1 $0x1  }
0x15: {  	[smem:$0x3FAB] =	sst s0;
	s0 =	simm.s32 @!p2 $0x0  }
0x16: {  	s3 =	sld [smem:$0x3FDB];
	s0 =	simm.s32 @p2 $0x1  }
0x17: {  	s4 =	simm.s32 $0x1BF5;
	[smem:$0x3FAD] =	sst s0  }
0x18: {  	s0 =	sld [smem:$0x3F90];
	_ =	swait.ge [sflag:s4], $0x0  }
0x19: {  	s7 =	sld [smem:$0x3F91]  }
0x1a: {  	s8 =	sadd.s32 $0xFFFFE003, lr  }
0x1b: {  	s9 =	sadd.s32 $0xFFFFFEF7, lr;
	s5 =	simm.s32 $0xFFFFFFFF;
	p2 =	slt.u32 s8, $0xFFFFF086  }
0x1c: {  	p1 =	slt.u32 s9, $0xF7A;
	s5 =	simm.s32 @!p2 $0x0  }
0x1d: {  	s5 =	simm.s32 @p1 $0x1;
	p0 =	seq.s32 s7, s2  }
0x1e: {  	s7 =	smul.u32 @!p0 $0xF7A, s2;
	p2 =	seq.s32 @!p0 s5, $0x0  }
0x1f: {  	s9 =	smul.u32 $0xF7A, s1;
	s8 =	simm.s32 @!p0 $0x1BF5;
	p2 =	por !p2, p0  }
0x20: {  	[sflag:s8] =	ssyncset.s32 @!p0 $0xFFFFF086;
	s6 =	sadd.s32 @!p0 s3, s7;
	s7 =	simm.s32 @!p0 $0x108  }
0x21: {  	s3 =	sadd.s32 s3, s9;
	s6 =	sadd.s32 @!p0 $0x88, s6;
	s7 =	simm.s32 @p2 $0x1082  }
0x22: {  	[simem:s7], [sflag:s8] =	dma.local @!p0 [hbm:s6], $0xF7A  }
0x23: {  	s9 =	sor.u32 $0xD0000000, s2;
	s6 =	simm.s32 $0x108;
	_ =	swait.ge @!p0 [sflag:s8], $0x0  }
0x24: {  	s3 =	sadd.s32 $0x88, s3;
	s6 =	simm.s32 @!p1 $0x1082;
	[sflag:s4] =	ssyncset.s32 $0xFFFFF086  }
0x25: {  	[simem:s6], [sflag:s4] =	dma.local [hbm:s3], $0xF7A  }
0x26: {  	[smem:$0x3F91] =	sst s1;
	(tag) =	ssettag s2;
	_ =	strace s9  }
0x27: {  	s1 =	sld [smem:$0x3FA1]  }
0x28: {  	s2 =	sld [smem:$0x3FA2]  }
0x29: {  	s4 =	sld [smem:$0x3FA4]  }
0x2a: {  	p0 =	seq.s32 s5, $0x0;
	s5 =	sld [smem:$0x3FA5]  }
0x2b: {  	s6 =	sld [smem:$0x3FA6]  }
0x2c: {  	s7 =	sld [smem:$0x3FA7]  }
0x2d: {  	s3 =	simm.s32 $0x108;
	s8 =	sld [smem:$0x3FA8]  }
0x2e: {  	s3 =	simm.s32 @!p0 $0x1082;
	s9 =	sld [smem:$0x3FA9]  }
0x2f: {  	lr =	sadd.s32 s0, s3;
	s0 =	sld [smem:$0x3FA0]  }
0x30: {  	s3 =	sld [smem:$0x3FA3]  }
0x31: {  	[smem:$0x3FAC] =	sst s10  }
0x32: {  	s10 =	sld [smem:$0x3FAA];
	_ =	sdelay $0x3  }
0x33: {  	p0 =	seq.s32 s10, $0x1;
	s10 =	sld [smem:$0x3FAC];
	_ =	sdelay $0x3  }
0x34: {  	[smem:$0x3FAC] =	sst s10  }
0x35: {  	s10 =	sld [smem:$0x3FAB];
	_ =	sdelay $0x3  }
0x36: {  	p1 =	seq.s32 s10, $0x1;
	s10 =	sld [smem:$0x3FAC];
	_ =	sdelay $0x3  }
0x37: {  	[smem:$0x3FAC] =	sst s10  }
0x38: {  	s10 =	sld [smem:$0x3FAD]  }
0x39: {  	_ = 	snop;
	(pc) =	sbr.ind lr, $3  }
0x3a: {  	_ = 	snop  }
0x3b: {  	_ = 	snop  }
0x3c: {  	p2 =	seq.s32 s10, $0x1;
	s10 =	sld [smem:$0x3FAC]  }
0x3d: {  	_ =	shalt  }
0x3e: {  	_ =	shalt  }
0x3f: {  	_ =	shalt  }
0x40: {  	_ =	shalt  }
0x41: {  	_ =	shalt  }
0x42: {  	_ =	shalt  }
0x43: {  	_ =	shalt  }
0x44: {  	_ =	shalt  }
0x45: {  	_ =	shalt  }
0x46: {  	_ =	shalt  }
0x47: {  	_ =	shalt  }
0x48: {  	_ =	shalt  }
0x49: {  	_ =	shalt  }
0x4a: {  	_ =	shalt  }
0x4b: {  	_ =	shalt  }
0x4c: {  	_ =	shalt  }
0x4d: {  	_ =	shalt  }
0x4e: {  	_ =	shalt  }
0x4f: {  	_ =	shalt  }
0x50: {  	_ =	shalt  }
0x51: {  	_ =	shalt  }
0x52: {  	_ =	shalt  }
0x53: {  	_ =	shalt  }
0x54: {  	_ =	shalt  }
0x55: {  	_ =	shalt  }
0x56: {  	_ =	shalt  }
0x57: {  	_ =	shalt  }
0x58: {  	_ =	shalt  }
0x59: {  	_ =	shalt  }
0x5a: {  	_ =	shalt  }
0x5b: {  	_ =	shalt  }
0x5c: {  	_ =	shalt  }
0x5d: {  	_ =	shalt  }
0x5e: {  	_ =	shalt  }
0x5f: {  	_ =	shalt  }
0x60: {  	_ =	shalt  }
0x61: {  	_ =	shalt  }
0x62: {  	_ =	shalt  }
0x63: {  	_ =	shalt  }
0x64: {  	_ =	shalt  }
0x65: {  	_ =	shalt  }
0x66: {  	_ =	shalt  }
0x67: {  	_ =	shalt  }
0x68: {  	_ =	shalt  }
0x69: {  	_ =	shalt  }
0x6a: {  	_ =	shalt  }
0x6b: {  	_ =	shalt  }
0x6c: {  	_ =	shalt  }
0x6d: {  	_ =	shalt  }
0x6e: {  	_ =	shalt  }
0x6f: {  	_ =	shalt  }
0x70: {  	_ =	shalt  }
0x71: {  	_ =	shalt  }
0x72: {  	_ =	shalt  }
0x73: {  	_ =	shalt  }
0x74: {  	_ =	shalt  }
0x75: {  	_ =	shalt  }
0x76: {  	_ =	shalt  }
0x77: {  	_ =	shalt  }
0x78: {  	_ =	shalt  }
0x79: {  	_ =	shalt  }
0x7a: {  	_ =	shalt  }
0x7b: {  	_ =	shalt  }
0x7c: {  	_ =	shalt  }
0x7d: {  	_ =	shalt  }
0x7e: {  	_ =	shalt  }
0x7f: {  	_ =	shalt  }
0x80: {  	_ =	shalt  }
0x81: {  	_ =	shalt  }
0x82: {  	_ =	shalt  }
0x83: {  	_ =	shalt  }
0x84: {  	_ =	shalt  }
0x85: {  	_ =	shalt  }
0x86: {  	_ =	shalt  }
0x87: {  	_ =	shalt  }
.Lfunc_end0:
.L_simem_size_0:
called_computation_lowered:
.L_overlay_start_0:
0x88: {  	s2 =	sld [smem:$0x3FD9]  }
0x89: {  	s3 =	sld [smem:$0x3FFE];
	_ =	sdelay $0x1  }
0x8a: {  	s1 =	srdreg.scid  }
0x8b: {  	s0 =	sand.u32 $0x1, s1  }
0x8c: {  	s16 =	sshll.u32 s0, $0xA;
	s2 =	sadd.s32 s3, s2  }
0x8d: {  	s2 =	sadd.s32 s2, s16  }
0x8e: {  	[smem:$0x3FB8] =	sst s2  }
0x8f: {  	_ = 	snop  }
0x90: {  	(tm) =	ssettm $0x1  }
0x91: {  	s17 =	sld [smem:$0x3FFB];
	_ =	sdelay $0x3  }
0x92: {  	_ =	strace s17  }
0x93: {  	s2 =	sld [smem:$0x3FFC];
	_ =	sdelay $0x3  }
0x94: {  	_ =	strace s2  }
0x95: {  	s2 =	sld [smem:$0x3FFD];
	_ =	sdelay $0x3  }
0x96: {  	_ =	strace s2  }
0x97: {  	_ =	strace $0x8FFFFFFF  }
0x98: {  	s18 =	sld [smem:$0x3FDB];
	_ =	sdelay $0x1  }
0x99: {  	s19 =	simm.s32 $_scs_section_size  }
0x9a: {  	s4 =	simm.s32 $_size__tile_overlayer_lowered;
	s5 =	simm.s32 $_tile_overlayer_lowered  }
0x9b: {  	s22 =	simm.s32 $0x1BFF;
	s21 =	sshll.u32 s5, $0x1;
	s2 =	sadd.s32 s19, s18  }
0x9c: {  	s6 =	simm.s32 $0x0;
	s20 =	sshll.u32 s4, $0x1;
	s4 =	sadd.s32 s21, s2  }
0x9d: {  	[timem:s6], [sflag:s22] =	dma.local [hbm:s4], s20  }
0x9e: {  	_ =	swait.ge [sflag:s22], s20  }
0x9f: {  	s3 =	ssub.s32 $0x0, s20;
	[sflag:s22] =	ssyncset.done $0x0  }
0xa0: {  	[sflag:s22] =	ssyncadd.s32 s3;
	_ =	sdelay $0x1  }
0xa1: {  	s23 =	simm.s32 $0x1B8B  }
0xa2: {  	_ =	swait.ge [sflag:s23], $0x1  }
0xa3: {  	[sflag:s23] =	ssyncset.done $0x0  }
0xa4: {  	s25 =	simm.s32 $0x1B8E;
	s24 =	sld [smem:$0x3FFE];
	[sflag:s23] =	ssyncadd.s32 $0xFFFFFFFF  }
0xa5: {  	s26 =	simm.s32 $execute0_lowered;
	[smem:$0x3FD2] =	sst s25  }
0xa6: {  	s4 =	sshll.u32 s26, $0x1;
	_ =	strace $0x80000046;
	[dreg:$0x1] =	wrdreg $0xFFFFFFFF  }
0xa7: {  	s28 =	simm.s32 $_size_execute0_lowered;
	s2 =	sadd.s32 s2, s4;
	[dreg:$0x0] =	wrdreg $0x0  }
0xa8: {  	s4 =	sshll.u32 s28, $0x1;
	[dreg:$0x2] =	wrdreg s2  }
0xa9: {  	[dreg:$0x3] =	wrdreg s4  }
0xaa: {  	[dreg:$0x4] =	wrdreg $0xC0  }
0xab: {  	_ =	task [dreg:s6], $0x5FFFF  }
0xac: {  	[dreg:$0x1] =	wrdreg $0xFFFFFFFF  }
0xad: {  	[dreg:$0x0] =	wrdreg $0x60  }
0xae: {  	[dreg:$0x2] =	wrdreg s24  }
0xaf: {  	[dreg:$0x3] =	wrdreg $0x150000  }
0xb0: {  	[dreg:$0x4] =	wrdreg $0x9  }
0xb1: {  	_ =	task.clear_ibuf [dreg:s6], $0x5FFFF;
	_ =	strace $0x90000046  }
0xb2: {  	s29 =	simm.s32 $0x9;
	_ =	strace $0x80000048  }
0xb3: {  	_ =	swait.ge [sflag:s29], $0x1  }
0xb4: {  	[sflag:s29] =	ssyncadd.s32 $0xFFFFFFFF  }
0xb5: {  	_ =	strace $0x90000048  }
0xb6: {  	_ =	sfence  }
0xb7: {  	s30 =	sld [smem:$0x0];
	_ =	sdelay $0x2  }
0xb8: {  	s31 =	sshll.u32 s1, $0xD;
	s1 =	sshrl.u32 s1, $0x2  }
0xb9: {  	s3 =	sand.u32 $0x4000, s31;
	s1 =	sadd.s32 s1, s30  }
0xba: {  	s0 =	sor.u32 s3, s0;
	s1 =	sshll.u32 s1, $0x11  }
0xbb: {  	s0 =	sor.u32 s1, s0  }
0xbc: {  	s0 =	sadd.s32 $0x8F2B, s0  }
0xbd: {  	[sflag:s0] =	ssyncadd.remote.s32 $0x1  }
0xbe: {  	_ =	sfence.sel $0xFFFF  }
0xbf: {  	[dreg:$0x0] =	wrdreg $0xFFFFFFFF;
	(pc) =	sbr.abs _section_cstart, $3  }
0xc0: {  	[dreg:$0x1] =	wrdreg $0xFFFFFFFF  }
0xc1: {  	_ =	task.clear_ibuf [dreg:s6], $0x2FFFF;
	_ =	strace $0x9FFFFFFF  }
0xc2: {  	(tm) =	ssettm $0x7FFFFFFF  }
0xc3: {  	_ =	shalt  }
tec
execute0_lowered:
.L_overlay_start_1:
0x0: {  	(tag) =	ssettag $0x1  }
0x1: {  	s0 =	srdreg.scid;
	s5 =	rddreg [dreg:$0x0]  }
0x2: {  	s8 =	stileid.u32;
	s2 =	rddreg [dreg:$0x1]  }
0x3: {  	s3 =	simm.s32 $0x0;
	s12 =	simm.s32 $0x9;
	s13 =	simm.s32 $0x2800  }
0x4: {  	s14 =	simm.s32 $0x80;
	s15 =	simm.s32 $0x5000;
	s16 =	simm.s32 $0x9000  }
0x5: {  	s19 =	simm.s32 $0x1;
	s22 =	simm.s32 $0x2;
	s28 =	simm.s32 $0x8  }
0x6: {  	s29 =	simm.s32 $0x0;
	s0 =	sand.u32 $0x1, s0;
	s7 =	smul.u32 $0xA000, s8  }
0x7: {  	[smem:$0x7FF] =	sst s3;
	s4 =	sadd.s32 $0x16000, s5;
	s23 =	smul.u32 $0x28000, s8  }
0x8: {  	s9 =	sadd.s32 $0x2A000, s5;
	s26 =	sshll.u32 s8, $0x6;
	s1 =	sshll.u32 s0, $0x4  }
0x9: {  	s6 =	smul.u32 $0xA0000, s0;
	_ =	strace $0x80000047;
	s0 =	ssub.s32 $0x2, s0  }
0xa: {  	[dreg:$0x3] =	wrdreg s9;
	s1 =	sor.u32 s8, s1;
	s24 =	sshrl.u32 s0, $0x1  }
0xb: {  	s25 =	sshrl.u32 s23, $0x2;
	s1 =	smul.u32 $0x500, s1;
	s6 =	sadd.s32 s7, s6  }
0xc: {  	s0 =	ssub.s32 s0, s24;
	s11 =	sadd.s32 s25, s2;
	s24 =	simm.s32 $0x5  }
0xd: {  	s25 =	simm.s32 $0x6;
	s0 =	smax.u32 s0, $0x1;
	s1 =	sadd.s32 s1, s5  }
0xe: {  	s6 =	sshrl.u32 s6, $0x3;
	[dreg:$0x7] =	wrdreg s0;
	s30 =	sadd.s32 $0x2000, s1  }
0xf: {  	s5 =	sadd.s32 s6, s5;
	s1 =	sadd.s32 $0xC000, s1;
	[dreg:$0x4] =	wrdreg s30  }
0x10: {  	s11 =	sshrl.u32 s11, $0x3;
	s31 =	sadd.s32 $0x2B400, s5;
	[dreg:$0x5] =	wrdreg s1  }
0x11: {  	s6 =	sor.u32 $0x1C09, s26;
	s26 =	simm.s32 $0x7;
	[dreg:$0x6] =	wrdreg s31  }
.LBB2_1:
0x12: {  	s0 =	rddreg [dreg:$0x3]  }
0x13: {  	[spmem:s11], [sflag:s6] =	dma.local [hbm:s0], $0x1400  }
0x14: {  	_ =	swait.ge [sflag:s12], $0x1400  }
0x15: {  	[sflag:s12] =	ssyncset.done $0x0  }
0x16: {  	s23 =	rddreg [dreg:$0x4];
	[sflag:s12] =	ssyncadd.s32 $0xFFFFEC00  }
0x17: {  	[tilespmem:s3], [sflag:$0x9] =	stream.linear.gather [hbm4b:s23+s3], $0x2800, $0x38;
	[tilespmem:$0x1F000] =	vst v63  }
0x18: {  	_ =	swait.ge [sflag:s12], $0x2800  }
0x19: {  	[sflag:s12] =	ssyncset.done $0x0  }
0x1a: {  	s1 =	rddreg [dreg:$0x5];
	[sflag:s12] =	ssyncadd.s32 $0xFFFFD800  }
0x1b: {  	[tilespmem:s13], [sflag:$0x9] =	stream.linear.gather [hbm4b:s1+s3], $0x2800, $0x38;
	[tilespmem:$0x1F000] =	vst v63  }
0x1c: {  	_ =	swait.ge [sflag:s12], $0x2800  }
0x1d: {  	[sflag:s12] =	ssyncset.done $0x0  }
0x1e: {  	[sflag:s12] =	ssyncadd.s32 $0xFFFFD800  }
0x1f: {  	[bflag:$0x0] =	sbarrier.arrive $0xFFFF  }
0x20: {  	[tilespmem:s15], [sflag:$0x1] =	stream.indirect.gather [hbm4b:s4+s14], $0x80, s3, s14, $0xb8;
	[tilespmem:$0x1F000] =	vst v63  }
0x21: {  	_ = 	snop  }
0x22: {  	[tilespmem:s16], [sflag:$0x2] =	stream.indirect.gather [hbm4b:s4+s14], $0x80, s14, s14, $0xb8;
	[tilespmem:$0x1F000] =	vst v63  }
0x23: {  	s5 =	simm.s32 $0x100;
	s1 =	simm.s32 $0xD000  }
0x24: {  	[tilespmem:s1], [sflag:$0x3] =	stream.indirect.gather [hbm4b:s4+s14], $0x80, s5, s14, $0xb8;
	[tilespmem:$0x1F000] =	vst v63  }
0x25: {  	_ =	swait.ge [sflag:s19], $0x4000  }
0x26: {  	[sflag:s19] =	ssyncset.done $0x0  }
0x27: {  	s7 =	simm.s32 $0x180;
	s8 =	simm.s32 $0x11000;
	[sflag:s19] =	ssyncadd.s32 $0xFFFFC000  }
0x28: {  	[spmem:s2] =	stream.indirect.scatter.add.f32 [tilespmem:s15], [sflag:$0x5], $0x80, s13, s14, $0xb8;
	[tilespmem:$0x1F000] =	vst v63  }
0x29: {  	s9 =	simm.s32 $0x2880;
	p0 =	por $0x0, $0x0;
	s21 =	simm.s32 $0x2900  }
0x2a: {  	[tilespmem:s8], [sflag:$0x4] =	stream.indirect.gather [hbm4b:s4+s14], $0x80, s7, s14, $0xb8;
	[tilespmem:$0x1F000] =	vst v63  }
0x2b: {  	s17 =	simm.s32 $0x2;
	s0 =	simm.s32 $0x4;
	_ =	swait.ge [sflag:s22], $0x4000  }
0x2c: {  	s30 =	simm.s32 $0x2980;
	s5 =	sand.u32 @!p0 $0x3, s0;
	[sflag:s22] =	ssyncset.done $0x0  }
0x2d: {  	s1 =	simm.s32 $0x200;
	s18 =	sadd.s32 @!p0 $0x5, s5;
	[sflag:s22] =	ssyncadd.s32 $0xFFFFC000  }
0x2e: {  	[spmem:s2] =	stream.indirect.scatter.add.f32 [tilespmem:s16], [sflag:$0x6], $0x80, s9, s14, $0xb8;
	[tilespmem:$0x1F000] =	vst v63  }
0x2f: {  	s0 =	simm.s32 $0x5;
	s7 =	sand.u32 $0x3, s17;
	_ =	swait.ge @!p0 [sflag:s18], $0x4000  }
0x30: {  	s17 =	sshll.u32 @!p0 s5, $0xE;
	s5 =	sadd.s32 @!p0 $0x1, s5;
	[sflag:s18] =	ssyncset.done @!p0 $0x0  }
0x31: {  	s17 =	sadd.s32 @!p0 $0x5000, s17;
	[sflag:s18] =	ssyncadd.s32 @!p0 $0xFFFFC000;
	s18 =	simm.s32 @!p0 $0x80  }
0x32: {  	[tilespmem:s17], [sflag:s5] =	stream.indirect.gather @!p0 [hbm4b:s4+s18], $0x80, s1, s18, $0xb8;
	[tilespmem:$0x1F000] =	vst v63  }
0x33: {  	s23 =	sadd.s32 $0x1, s7;
	s10 =	sshll.u32 s7, $0xE;
	s17 =	simm.s32 $0x3  }
0x34: {  	s18 =	simm.s32 $0x6;
	s1 =	simm.s32 $0x280;
	_ =	swait.ge [sflag:s23], $0x4000  }
0x35: {  	s5 =	sadd.s32 $0x5, s7;
	s31 =	sand.u32 $0x3, s17;
	[sflag:s23] =	ssyncset.done $0x0  }
0x36: {  	s20 =	sshll.u32 s31, $0xE;
	[sflag:s23] =	ssyncadd.s32 $0xFFFFC000;
	s23 =	sadd.s32 $0x5000, s10  }
.LBB2_2:
0x37: {  	[spmem:s2] =	stream.indirect.scatter.add.f32 [tilespmem:s23], [sflag:s5], $0x80, s21, s14, $0xb8;
	[tilespmem:$0x1F000] =	vst v63  }
0x38: {  	s5 =	smov.u32 s18;
	s7 =	smov.u32 s31;
	s23 =	smov.u32 s20  }
0x39: {  	s18 =	sadd.s32 $0x1, s18;
	p1 =	sgt.u32 s17, $0x4D;
	s17 =	sadd.s32 $0xFFFFFFFE, s5  }
0x3a: {  	p0 =	sne.s32 s18, $0x52;
	s0 =	sand.u32 @!p1 $0x3, s0;
	s31 =	sand.u32 $0x3, s17  }
0x3b: {  	s21 =	sadd.s32 @!p1 $0x5, s0;
	s8 =	sshll.u32 @!p1 s0, $0xE;
	s9 =	sadd.s32 @!p1 $0x1, s0  }
0x3c: {  	s20 =	sshll.u32 s31, $0xE;
	s8 =	sadd.s32 @!p1 $0x5000, s8;
	_ =	swait.ge @!p1 [sflag:s21], $0x4000  }
0x3d: {  	s10 =	sadd.s32 $0x1, s7;
	s0 =	smov.u32 s5;
	[sflag:s21] =	ssyncset.done @!p1 $0x0  }
.Ltmp0:
0x3e: {  	s5 =	simm.s32 @!p1 $0x80;
	[sflag:s21] =	ssyncadd.s32 @!p1 $0xFFFFC000;
	(pc) =	sbr.rel @p0 .LBB2_2-.Ltmp0, $4  }
0x3f: {  	[tilespmem:s8], [sflag:s9] =	stream.indirect.gather @!p1 [hbm4b:s4+s5], $0x80, s1, s5, $0xb8;
	[tilespmem:$0x1F000] =	vst v63  }
0x40: {  	s21 =	smov.u32 s30;
	_ =	swait.ge [sflag:s10], $0x4000  }
0x41: {  	s30 =	sadd.s32 $0x80, s30;
	s1 =	sadd.s32 $0x80, s1;
	[sflag:s10] =	ssyncset.done $0x0  }
0x42: {  	s23 =	sadd.s32 $0x5000, s23;
	s5 =	sadd.s32 $0x5, s7;
	[sflag:s10] =	ssyncadd.s32 $0xFFFFC000  }
0x43: {  	[spmem:s2] =	stream.indirect.scatter.add.f32 [tilespmem:s23], [sflag:s5], $0x80, s21, s14, $0xb8;
	[tilespmem:$0x1F000] =	vst v63  }
0x44: {  	p0 =	sgt.u32 s17, $0x4D  }
0x45: {  	s0 =	sand.u32 @!p0 $0x3, s0  }
0x46: {  	s5 =	sadd.s32 @!p0 $0x5, s0  }
0x47: {  	s8 =	sadd.s32 $0x1, s31;
	_ =	swait.ge @!p0 [sflag:s5], $0x4000  }
0x48: {  	s7 =	sshll.u32 @!p0 s0, $0xE;
	s0 =	sadd.s32 @!p0 $0x1, s0;
	[sflag:s5] =	ssyncset.done @!p0 $0x0  }
0x49: {  	s7 =	sadd.s32 @!p0 $0x5000, s7;
	[sflag:s5] =	ssyncadd.s32 @!p0 $0xFFFFC000;
	s5 =	simm.s32 @!p0 $0x80  }
0x4a: {  	[tilespmem:s7], [sflag:s0] =	stream.indirect.gather @!p0 [hbm4b:s4+s5], $0x80, s1, s5, $0xb8;
	[tilespmem:$0x1F000] =	vst v63  }
0x4b: {  	_ =	swait.ge [sflag:s8], $0x4000  }
0x4c: {  	[sflag:s8] =	ssyncset.done $0x0  }
0x4d: {  	s21 =	sadd.s32 $0x5000, s20;
	s23 =	sadd.s32 $0x5, s31;
	[sflag:s8] =	ssyncadd.s32 $0xFFFFC000  }
0x4e: {  	[spmem:s2] =	stream.indirect.scatter.add.f32 [tilespmem:s21], [sflag:s23], $0x80, s30, s14, $0xb8;
	[tilespmem:$0x1F000] =	vst v63  }
0x4f: {  	_ =	swait.ge [sflag:s24], $0x4000  }
0x50: {  	[sflag:s24] =	ssyncset.done $0x0  }
0x51: {  	[sflag:s24] =	ssyncadd.s32 $0xFFFFC000  }
0x52: {  	_ =	swait.ge [sflag:s25], $0x4000  }
0x53: {  	[sflag:s25] =	ssyncset.done $0x0  }
0x54: {  	[sflag:s25] =	ssyncadd.s32 $0xFFFFC000  }
0x55: {  	_ =	swait.ge [sflag:s26], $0x4000  }
0x56: {  	[sflag:s26] =	ssyncset.done $0x0  }
0x57: {  	[sflag:s26] =	ssyncadd.s32 $0xFFFFC000  }
0x58: {  	_ =	swait.ge [sflag:s28], $0x4000  }
0x59: {  	[sflag:s28] =	ssyncset.done $0x0  }
0x5a: {  	[sflag:s28] =	ssyncadd.s32 $0xFFFFC000  }
0x5b: {  	[bflag:$0x0] =	sbarrier.arrive $0xFFFF  }
0x5c: {  	s30 =	rddreg [dreg:$0x6]  }
0x5d: {  	[hbm:s30], [sflag:s6] =	dma.local [spmem:s11], $0x1400  }
0x5e: {  	_ =	swait.ge [sflag:s12], $0x1400  }
0x5f: {  	s29 =	sadd.s32 $0x1, s29;
	s31 =	rddreg [dreg:$0x7]  }
0x60: {  	p0 =	sne.s32 s29, s31  }
.Ltmp1:
0x61: {  	_ = 	snop;
	(pc) =	sbr.rel @p0 .LBB2_1-.Ltmp1, $3  }
0x62: {  	_ =	sdelay $0x1  }
0x63: {  	[sflag:s12] =	ssyncset.done $0x0  }
0x64: {  	[sflag:s12] =	ssyncadd.s32 $0xFFFFEC00  }
0x65: {  	_ =	sfence.sel $0x180000  }
0x66: {  	[bflag:$0x0] =	sbarrier.arrive $0xFFFF  }
0x67: {  	_ =	strace $0x90000047  }
0x68: {  	s0 =	stileid.u32;
	[bflag:$0x2] =	sbarrier.arrive $0xFFFF  }
0x69: {  	p0 =	sne.s32 s0, $0x0;
	s0 =	rddreg [dreg:$0x2]  }
0x6a: {  	s0 =	sadd.s32 @!p0 $0x100000, s0  }
0x6b: {  	[sflag:s0] =	ssyncadd.tile.s32 @!p0 $0x1;
	_ =	shalt  }
.Lfunc_end2:
_tile_overlayer_lowered:
.L_overlay_start_2:
0x6c: {  	(tag) =	ssettag $0x2  }
0x6d: {  	s0 =	rddreg [dreg:$0x0];
	s2 =	stileid.u32  }
0x6e: {  	s1 =	rddreg [dreg:$0x1];
	p0 =	sne.s32 s2, $0x0  }
0x6f: {  	s3 =	rddreg [dreg:$0x2];
	[bflag:$0x3] =	sbarrier.arrive $0xFFFF;
	s2 =	simm.s32 @!p0 $0x1C09  }
0x70: {  	[timem:s3], [sflag:s2] =	dma.local @!p0 [hbm:s0], s1  }
0x71: {  	s0 =	simm.s32 @!p0 $0x9  }
0x72: {  	_ =	swait.ge @!p0 [sflag:s0], s1  }
0x73: {  	s1 =	ssub.s32 @!p0 $0x0, s1;
	[sflag:s0] =	ssyncset.done @!p0 $0x0  }
0x74: {  	[sflag:s0] =	ssyncadd.s32 @!p0 s1  }
0x75: {  	[bflag:$0x3] =	sbarrier.arrive $0xFFFF  }
0x76: {  	_ =	shalt  }

// kernel: sc_segment_sum.7.cloned.1.call-start
scs
__scs_entry_jumppad:
0x0: {  	(pc) =	sbr.rel $0x88, $3  }
0x1: {  	(tag) =	ssettag $0x0;
	lr =	simm.s32 $0x1  }
0x2: {  	[smem:$0x3F91] =	sst lr;
	_ =	strace $0xD0000000  }
0x3: {  	_ = 	snop  }
0x4: {  	_ = 	snop  }
0x5: {  	_ = 	snop  }
0x6: {  	_ = 	snop  }
0x7: {  	_ = 	snop  }
__scs_overlays_trampoline_lowered:
0x8: {  	[smem:$0x3FA0] =	sst s0  }
0x9: {  	[smem:$0x3FA1] =	sst s1  }
0xa: {  	[smem:$0x3FA2] =	sst s2  }
0xb: {  	[smem:$0x3FA3] =	sst s3  }
0xc: {  	[smem:$0x3FA4] =	sst s4  }
0xd: {  	[smem:$0x3FA5] =	sst s5  }
0xe: {  	[smem:$0x3FA6] =	sst s6  }
0xf: {  	[smem:$0x3FA7] =	sst s7  }
0x10: {  	[smem:$0x3FA8] =	sst s8  }
0x11: {  	[smem:$0x3FA9] =	sst s9;
	s0 =	simm.s32 @!p0 $0x0  }
0x12: {  	s1 =	sld [smem:$0x3F8F];
	s0 =	simm.s32 @p0 $0x1  }
0x13: {  	[smem:$0x3FAA] =	sst s0;
	s0 =	simm.s32 @!p1 $0x0  }
0x14: {  	s2 =	sld [smem:$0x3F8E];
	s0 =	simm.s32 @p1 $0x1  }
0x15: {  	[smem:$0x3FAB] =	sst s0;
	s0 =	simm.s32 @!p2 $0x0  }
0x16: {  	s3 =	sld [smem:$0x3FDB];
	s0 =	simm.s32 @p2 $0x1  }
0x17: {  	s4 =	simm.s32 $0x1BF5;
	[smem:$0x3FAD] =	sst s0  }
0x18: {  	s0 =	sld [smem:$0x3F90];
	_ =	swait.ge [sflag:s4], $0x0  }
0x19: {  	s7 =	sld [smem:$0x3F91]  }
0x1a: {  	s8 =	sadd.s32 $0xFFFFE003, lr  }
0x1b: {  	s9 =	sadd.s32 $0xFFFFFEF7, lr;
	s5 =	simm.s32 $0xFFFFFFFF;
	p2 =	slt.u32 s8, $0xFFFFF086  }
0x1c: {  	p1 =	slt.u32 s9, $0xF7A;
	s5 =	simm.s32 @!p2 $0x0  }
0x1d: {  	s5 =	simm.s32 @p1 $0x1;
	p0 =	seq.s32 s7, s2  }
0x1e: {  	s7 =	smul.u32 @!p0 $0xF7A, s2;
	p2 =	seq.s32 @!p0 s5, $0x0  }
0x1f: {  	s9 =	smul.u32 $0xF7A, s1;
	s8 =	simm.s32 @!p0 $0x1BF5;
	p2 =	por !p2, p0  }
0x20: {  	[sflag:s8] =	ssyncset.s32 @!p0 $0xFFFFF086;
	s6 =	sadd.s32 @!p0 s3, s7;
	s7 =	simm.s32 @!p0 $0x108  }
0x21: {  	s3 =	sadd.s32 s3, s9;
	s6 =	sadd.s32 @!p0 $0x88, s6;
	s7 =	simm.s32 @p2 $0x1082  }
0x22: {  	[simem:s7], [sflag:s8] =	dma.local @!p0 [hbm:s6], $0xF7A  }
0x23: {  	s9 =	sor.u32 $0xD0000000, s2;
	s6 =	simm.s32 $0x108;
	_ =	swait.ge @!p0 [sflag:s8], $0x0  }
0x24: {  	s3 =	sadd.s32 $0x88, s3;
	s6 =	simm.s32 @!p1 $0x1082;
	[sflag:s4] =	ssyncset.s32 $0xFFFFF086  }
0x25: {  	[simem:s6], [sflag:s4] =	dma.local [hbm:s3], $0xF7A  }
0x26: {  	[smem:$0x3F91] =	sst s1;
	(tag) =	ssettag s2;
	_ =	strace s9  }
0x27: {  	s1 =	sld [smem:$0x3FA1]  }
0x28: {  	s2 =	sld [smem:$0x3FA2]  }
0x29: {  	s4 =	sld [smem:$0x3FA4]  }
0x2a: {  	p0 =	seq.s32 s5, $0x0;
	s5 =	sld [smem:$0x3FA5]  }
0x2b: {  	s6 =	sld [smem:$0x3FA6]  }
0x2c: {  	s7 =	sld [smem:$0x3FA7]  }
0x2d: {  	s3 =	simm.s32 $0x108;
	s8 =	sld [smem:$0x3FA8]  }
0x2e: {  	s3 =	simm.s32 @!p0 $0x1082;
	s9 =	sld [smem:$0x3FA9]  }
0x2f: {  	lr =	sadd.s32 s0, s3;
	s0 =	sld [smem:$0x3FA0]  }
0x30: {  	s3 =	sld [smem:$0x3FA3]  }
0x31: {  	[smem:$0x3FAC] =	sst s10  }
0x32: {  	s10 =	sld [smem:$0x3FAA];
	_ =	sdelay $0x3  }
0x33: {  	p0 =	seq.s32 s10, $0x1;
	s10 =	sld [smem:$0x3FAC];
	_ =	sdelay $0x3  }
0x34: {  	[smem:$0x3FAC] =	sst s10  }
0x35: {  	s10 =	sld [smem:$0x3FAB];
	_ =	sdelay $0x3  }
0x36: {  	p1 =	seq.s32 s10, $0x1;
	s10 =	sld [smem:$0x3FAC];
	_ =	sdelay $0x3  }
0x37: {  	[smem:$0x3FAC] =	sst s10  }
0x38: {  	s10 =	sld [smem:$0x3FAD]  }
0x39: {  	_ = 	snop;
	(pc) =	sbr.ind lr, $3  }
0x3a: {  	_ = 	snop  }
0x3b: {  	_ = 	snop  }
0x3c: {  	p2 =	seq.s32 s10, $0x1;
	s10 =	sld [smem:$0x3FAC]  }
0x3d: {  	_ =	shalt  }
0x3e: {  	_ =	shalt  }
0x3f: {  	_ =	shalt  }
0x40: {  	_ =	shalt  }
0x41: {  	_ =	shalt  }
0x42: {  	_ =	shalt  }
0x43: {  	_ =	shalt  }
0x44: {  	_ =	shalt  }
0x45: {  	_ =	shalt  }
0x46: {  	_ =	shalt  }
0x47: {  	_ =	shalt  }
0x48: {  	_ =	shalt  }
0x49: {  	_ =	shalt  }
0x4a: {  	_ =	shalt  }
0x4b: {  	_ =	shalt  }
0x4c: {  	_ =	shalt  }
0x4d: {  	_ =	shalt  }
0x4e: {  	_ =	shalt  }
0x4f: {  	_ =	shalt  }
0x50: {  	_ =	shalt  }
0x51: {  	_ =	shalt  }
0x52: {  	_ =	shalt  }
0x53: {  	_ =	shalt  }
0x54: {  	_ =	shalt  }
0x55: {  	_ =	shalt  }
0x56: {  	_ =	shalt  }
0x57: {  	_ =	shalt  }
0x58: {  	_ =	shalt  }
0x59: {  	_ =	shalt  }
0x5a: {  	_ =	shalt  }
0x5b: {  	_ =	shalt  }
0x5c: {  	_ =	shalt  }
0x5d: {  	_ =	shalt  }
0x5e: {  	_ =	shalt  }
0x5f: {  	_ =	shalt  }
0x60: {  	_ =	shalt  }
0x61: {  	_ =	shalt  }
0x62: {  	_ =	shalt  }
0x63: {  	_ =	shalt  }
0x64: {  	_ =	shalt  }
0x65: {  	_ =	shalt  }
0x66: {  	_ =	shalt  }
0x67: {  	_ =	shalt  }
0x68: {  	_ =	shalt  }
0x69: {  	_ =	shalt  }
0x6a: {  	_ =	shalt  }
0x6b: {  	_ =	shalt  }
0x6c: {  	_ =	shalt  }
0x6d: {  	_ =	shalt  }
0x6e: {  	_ =	shalt  }
0x6f: {  	_ =	shalt  }
0x70: {  	_ =	shalt  }
0x71: {  	_ =	shalt  }
0x72: {  	_ =	shalt  }
0x73: {  	_ =	shalt  }
0x74: {  	_ =	shalt  }
0x75: {  	_ =	shalt  }
0x76: {  	_ =	shalt  }
0x77: {  	_ =	shalt  }
0x78: {  	_ =	shalt  }
0x79: {  	_ =	shalt  }
0x7a: {  	_ =	shalt  }
0x7b: {  	_ =	shalt  }
0x7c: {  	_ =	shalt  }
0x7d: {  	_ =	shalt  }
0x7e: {  	_ =	shalt  }
0x7f: {  	_ =	shalt  }
0x80: {  	_ =	shalt  }
0x81: {  	_ =	shalt  }
0x82: {  	_ =	shalt  }
0x83: {  	_ =	shalt  }
0x84: {  	_ =	shalt  }
0x85: {  	_ =	shalt  }
0x86: {  	_ =	shalt  }
0x87: {  	_ =	shalt  }
.Lfunc_end0:
.L_simem_size_0:
called_computation.1_lowered:
.L_overlay_start_0:
0x88: {  	s2 =	sld [smem:$0x3FD9]  }
0x89: {  	s3 =	sld [smem:$0x3FFE];
	_ =	sdelay $0x1  }
0x8a: {  	s1 =	srdreg.scid  }
0x8b: {  	s0 =	sand.u32 $0x1, s1  }
0x8c: {  	s16 =	sshll.u32 s0, $0xA;
	s2 =	sadd.s32 s3, s2  }
0x8d: {  	s2 =	sadd.s32 s2, s16  }
0x8e: {  	[smem:$0x3FB8] =	sst s2  }
0x8f: {  	_ = 	snop  }
0x90: {  	(tm) =	ssettm $0x1  }
0x91: {  	s17 =	sld [smem:$0x3FFB];
	_ =	sdelay $0x3  }
0x92: {  	_ =	strace s17  }
0x93: {  	s2 =	sld [smem:$0x3FFC];
	_ =	sdelay $0x3  }
0x94: {  	_ =	strace s2  }
0x95: {  	s2 =	sld [smem:$0x3FFD];
	_ =	sdelay $0x3  }
0x96: {  	_ =	strace s2  }
0x97: {  	_ =	strace $0x8FFFFFFF  }
0x98: {  	s18 =	sld [smem:$0x3FDB];
	_ =	sdelay $0x1  }
0x99: {  	s19 =	simm.s32 $_scs_section_size  }
0x9a: {  	s4 =	simm.s32 $_size__tile_overlayer_lowered;
	s5 =	simm.s32 $_tile_overlayer_lowered  }
0x9b: {  	s22 =	simm.s32 $0x1BFF;
	s21 =	sshll.u32 s5, $0x1;
	s2 =	sadd.s32 s19, s18  }
0x9c: {  	s6 =	simm.s32 $0x0;
	s20 =	sshll.u32 s4, $0x1;
	s4 =	sadd.s32 s21, s2  }
0x9d: {  	[timem:s6], [sflag:s22] =	dma.local [hbm:s4], s20  }
0x9e: {  	_ =	swait.ge [sflag:s22], s20  }
0x9f: {  	s3 =	ssub.s32 $0x0, s20;
	[sflag:s22] =	ssyncset.done $0x0  }
0xa0: {  	[sflag:s22] =	ssyncadd.s32 s3;
	_ =	sdelay $0x1  }
0xa1: {  	s23 =	simm.s32 $0x1B8B  }
0xa2: {  	_ =	swait.ge [sflag:s23], $0x1  }
0xa3: {  	[sflag:s23] =	ssyncset.done $0x0  }
0xa4: {  	s25 =	simm.s32 $0x1B8E;
	s24 =	sld [smem:$0x3FFE];
	[sflag:s23] =	ssyncadd.s32 $0xFFFFFFFF  }
0xa5: {  	s26 =	simm.s32 $execute0_lowered;
	[smem:$0x3FD2] =	sst s25  }
0xa6: {  	s4 =	sshll.u32 s26, $0x1;
	_ =	strace $0x80000049;
	[dreg:$0x1] =	wrdreg $0xFFFFFFFF  }
0xa7: {  	s28 =	simm.s32 $_size_execute0_lowered;
	s2 =	sadd.s32 s2, s4;
	[dreg:$0x0] =	wrdreg $0x0  }
0xa8: {  	s4 =	sshll.u32 s28, $0x1;
	[dreg:$0x2] =	wrdreg s2  }
0xa9: {  	[dreg:$0x3] =	wrdreg s4  }
0xaa: {  	[dreg:$0x4] =	wrdreg $0xC0  }
0xab: {  	_ =	task [dreg:s6], $0x5FFFF  }
0xac: {  	[dreg:$0x1] =	wrdreg $0xFFFFFFFF  }
0xad: {  	[dreg:$0x0] =	wrdreg $0x60  }
0xae: {  	[dreg:$0x2] =	wrdreg s24  }
0xaf: {  	[dreg:$0x3] =	wrdreg $0x150000  }
0xb0: {  	[dreg:$0x4] =	wrdreg $0x9  }
0xb1: {  	_ =	task.clear_ibuf [dreg:s6], $0x5FFFF;
	_ =	strace $0x90000049  }
0xb2: {  	s29 =	simm.s32 $0x9;
	_ =	strace $0x8000004B  }
0xb3: {  	_ =	swait.ge [sflag:s29], $0x1  }
0xb4: {  	[sflag:s29] =	ssyncadd.s32 $0xFFFFFFFF  }
0xb5: {  	_ =	strace $0x9000004B  }
0xb6: {  	_ =	sfence  }
0xb7: {  	s30 =	sld [smem:$0x0];
	_ =	sdelay $0x2  }
0xb8: {  	s31 =	sshll.u32 s1, $0xD;
	s1 =	sshrl.u32 s1, $0x2  }
0xb9: {  	s3 =	sand.u32 $0x4000, s31;
	s1 =	sadd.s32 s1, s30  }
0xba: {  	s0 =	sor.u32 s3, s0;
	s1 =	sshll.u32 s1, $0x11  }
0xbb: {  	s0 =	sor.u32 s1, s0  }
0xbc: {  	s0 =	sadd.s32 $0x8F2B, s0  }
0xbd: {  	[sflag:s0] =	ssyncadd.remote.s32 $0x1  }
0xbe: {  	_ =	sfence.sel $0xFFFF  }
0xbf: {  	[dreg:$0x0] =	wrdreg $0xFFFFFFFF;
	(pc) =	sbr.abs _section_cstart, $3  }
0xc0: {  	[dreg:$0x1] =	wrdreg $0xFFFFFFFF  }
0xc1: {  	_ =	task.clear_ibuf [dreg:s6], $0x2FFFF;
	_ =	strace $0x9FFFFFFF  }
0xc2: {  	(tm) =	ssettm $0x7FFFFFFF  }
0xc3: {  	_ =	shalt  }
tec
execute0_lowered:
.L_overlay_start_1:
0x0: {  	(tag) =	ssettag $0x1  }
0x1: {  	s0 =	srdreg.scid;
	s5 =	rddreg [dreg:$0x0]  }
0x2: {  	s8 =	stileid.u32;
	s2 =	rddreg [dreg:$0x1]  }
0x3: {  	s3 =	simm.s32 $0x0;
	s12 =	simm.s32 $0x9;
	s13 =	simm.s32 $0x2800  }
0x4: {  	s14 =	simm.s32 $0x80;
	s15 =	simm.s32 $0x5000;
	s16 =	simm.s32 $0x9000  }
0x5: {  	s19 =	simm.s32 $0x1;
	s22 =	simm.s32 $0x2;
	s28 =	simm.s32 $0x8  }
0x6: {  	s29 =	simm.s32 $0x0;
	s0 =	sand.u32 $0x1, s0;
	s7 =	smul.u32 $0xA000, s8  }
0x7: {  	[smem:$0x7FF] =	sst s3;
	s4 =	sadd.s32 $0x2000, s5;
	s23 =	smul.u32 $0x28000, s8  }
0x8: {  	s9 =	sadd.s32 $0x2A000, s5;
	s26 =	sshll.u32 s8, $0x6;
	s1 =	sshll.u32 s0, $0x4  }
0x9: {  	s6 =	smul.u32 $0xA0000, s0;
	_ =	strace $0x8000004A;
	s0 =	ssub.s32 $0x2, s0  }
0xa: {  	[dreg:$0x3] =	wrdreg s9;
	s1 =	sor.u32 s8, s1;
	s24 =	sshrl.u32 s0, $0x1  }
0xb: {  	s25 =	sshrl.u32 s23, $0x2;
	s1 =	smul.u32 $0x500, s1;
	s6 =	sadd.s32 s7, s6  }
0xc: {  	s0 =	ssub.s32 s0, s24;
	s11 =	sadd.s32 s25, s2;
	s24 =	simm.s32 $0x5  }
0xd: {  	s25 =	simm.s32 $0x6;
	s0 =	smax.u32 s0, $0x1;
	s1 =	sadd.s32 s1, s5  }
0xe: {  	s6 =	sshrl.u32 s6, $0x3;
	[dreg:$0x7] =	wrdreg s0;
	s30 =	sadd.s32 $0x53400, s1  }
0xf: {  	s5 =	sadd.s32 s6, s5;
	s1 =	sadd.s32 $0x5D400, s1;
	[dreg:$0x4] =	wrdreg s30  }
0x10: {  	s11 =	sshrl.u32 s11, $0x3;
	s31 =	sadd.s32 $0x2B400, s5;
	[dreg:$0x5] =	wrdreg s1  }
0x11: {  	s6 =	sor.u32 $0x1C09, s26;
	s26 =	simm.s32 $0x7;
	[dreg:$0x6] =	wrdreg s31  }
.LBB2_1:
0x12: {  	s0 =	rddreg [dreg:$0x3]  }
0x13: {  	[spmem:s11], [sflag:s6] =	dma.local [hbm:s0], $0x1400  }
0x14: {  	_ =	swait.ge [sflag:s12], $0x1400  }
0x15: {  	[sflag:s12] =	ssyncset.done $0x0  }
0x16: {  	s23 =	rddreg [dreg:$0x4];
	[sflag:s12] =	ssyncadd.s32 $0xFFFFEC00  }
0x17: {  	[tilespmem:s3], [sflag:$0x9] =	stream.linear.gather [hbm4b:s23+s3], $0x2800, $0x38;
	[tilespmem:$0x1F000] =	vst v63  }
0x18: {  	_ =	swait.ge [sflag:s12], $0x2800  }
0x19: {  	[sflag:s12] =	ssyncset.done $0x0  }
0x1a: {  	s1 =	rddreg [dreg:$0x5];
	[sflag:s12] =	ssyncadd.s32 $0xFFFFD800  }
0x1b: {  	[tilespmem:s13], [sflag:$0x9] =	stream.linear.gather [hbm4b:s1+s3], $0x2800, $0x38;
	[tilespmem:$0x1F000] =	vst v63  }
0x1c: {  	_ =	swait.ge [sflag:s12], $0x2800  }
0x1d: {  	[sflag:s12] =	ssyncset.done $0x0  }
0x1e: {  	[sflag:s12] =	ssyncadd.s32 $0xFFFFD800  }
0x1f: {  	[bflag:$0x0] =	sbarrier.arrive $0xFFFF  }
0x20: {  	[tilespmem:s15], [sflag:$0x1] =	stream.indirect.gather [hbm4b:s4+s14], $0x80, s3, s14, $0xb8;
	[tilespmem:$0x1F000] =	vst v63  }
0x21: {  	_ = 	snop  }
0x22: {  	[tilespmem:s16], [sflag:$0x2] =	stream.indirect.gather [hbm4b:s4+s14], $0x80, s14, s14, $0xb8;
	[tilespmem:$0x1F000] =	vst v63  }
0x23: {  	s5 =	simm.s32 $0x100;
	s1 =	simm.s32 $0xD000  }
0x24: {  	[tilespmem:s1], [sflag:$0x3] =	stream.indirect.gather [hbm4b:s4+s14], $0x80, s5, s14, $0xb8;
	[tilespmem:$0x1F000] =	vst v63  }
0x25: {  	_ =	swait.ge [sflag:s19], $0x4000  }
0x26: {  	[sflag:s19] =	ssyncset.done $0x0  }
0x27: {  	s7 =	simm.s32 $0x180;
	s8 =	simm.s32 $0x11000;
	[sflag:s19] =	ssyncadd.s32 $0xFFFFC000  }
0x28: {  	[spmem:s2] =	stream.indirect.scatter.add.f32 [tilespmem:s15], [sflag:$0x5], $0x80, s13, s14, $0xb8;
	[tilespmem:$0x1F000] =	vst v63  }
0x29: {  	s9 =	simm.s32 $0x2880;
	p0 =	por $0x0, $0x0;
	s21 =	simm.s32 $0x2900  }
0x2a: {  	[tilespmem:s8], [sflag:$0x4] =	stream.indirect.gather [hbm4b:s4+s14], $0x80, s7, s14, $0xb8;
	[tilespmem:$0x1F000] =	vst v63  }
0x2b: {  	s17 =	simm.s32 $0x2;
	s0 =	simm.s32 $0x4;
	_ =	swait.ge [sflag:s22], $0x4000  }
0x2c: {  	s30 =	simm.s32 $0x2980;
	s5 =	sand.u32 @!p0 $0x3, s0;
	[sflag:s22] =	ssyncset.done $0x0  }
0x2d: {  	s1 =	simm.s32 $0x200;
	s18 =	sadd.s32 @!p0 $0x5, s5;
	[sflag:s22] =	ssyncadd.s32 $0xFFFFC000  }
0x2e: {  	[spmem:s2] =	stream.indirect.scatter.add.f32 [tilespmem:s16], [sflag:$0x6], $0x80, s9, s14, $0xb8;
	[tilespmem:$0x1F000] =	vst v63  }
0x2f: {  	s0 =	simm.s32 $0x5;
	s7 =	sand.u32 $0x3, s17;
	_ =	swait.ge @!p0 [sflag:s18], $0x4000  }
0x30: {  	s17 =	sshll.u32 @!p0 s5, $0xE;
	s5 =	sadd.s32 @!p0 $0x1, s5;
	[sflag:s18] =	ssyncset.done @!p0 $0x0  }
0x31: {  	s17 =	sadd.s32 @!p0 $0x5000, s17;
	[sflag:s18] =	ssyncadd.s32 @!p0 $0xFFFFC000;
	s18 =	simm.s32 @!p0 $0x80  }
0x32: {  	[tilespmem:s17], [sflag:s5] =	stream.indirect.gather @!p0 [hbm4b:s4+s18], $0x80, s1, s18, $0xb8;
	[tilespmem:$0x1F000] =	vst v63  }
0x33: {  	s23 =	sadd.s32 $0x1, s7;
	s10 =	sshll.u32 s7, $0xE;
	s17 =	simm.s32 $0x3  }
0x34: {  	s18 =	simm.s32 $0x6;
	s1 =	simm.s32 $0x280;
	_ =	swait.ge [sflag:s23], $0x4000  }
0x35: {  	s5 =	sadd.s32 $0x5, s7;
	s31 =	sand.u32 $0x3, s17;
	[sflag:s23] =	ssyncset.done $0x0  }
0x36: {  	s20 =	sshll.u32 s31, $0xE;
	[sflag:s23] =	ssyncadd.s32 $0xFFFFC000;
	s23 =	sadd.s32 $0x5000, s10  }
.LBB2_2:
0x37: {  	[spmem:s2] =	stream.indirect.scatter.add.f32 [tilespmem:s23], [sflag:s5], $0x80, s21, s14, $0xb8;
	[tilespmem:$0x1F000] =	vst v63  }
0x38: {  	s5 =	smov.u32 s18;
	s7 =	smov.u32 s31;
	s23 =	smov.u32 s20  }
0x39: {  	s18 =	sadd.s32 $0x1, s18;
	p1 =	sgt.u32 s17, $0x4D;
	s17 =	sadd.s32 $0xFFFFFFFE, s5  }
0x3a: {  	p0 =	sne.s32 s18, $0x52;
	s0 =	sand.u32 @!p1 $0x3, s0;
	s31 =	sand.u32 $0x3, s17  }
0x3b: {  	s21 =	sadd.s32 @!p1 $0x5, s0;
	s8 =	sshll.u32 @!p1 s0, $0xE;
	s9 =	sadd.s32 @!p1 $0x1, s0  }
0x3c: {  	s20 =	sshll.u32 s31, $0xE;
	s8 =	sadd.s32 @!p1 $0x5000, s8;
	_ =	swait.ge @!p1 [sflag:s21], $0x4000  }
0x3d: {  	s10 =	sadd.s32 $0x1, s7;
	s0 =	smov.u32 s5;
	[sflag:s21] =	ssyncset.done @!p1 $0x0  }
.Ltmp0:
0x3e: {  	s5 =	simm.s32 @!p1 $0x80;
	[sflag:s21] =	ssyncadd.s32 @!p1 $0xFFFFC000;
	(pc) =	sbr.rel @p0 .LBB2_2-.Ltmp0, $4  }
0x3f: {  	[tilespmem:s8], [sflag:s9] =	stream.indirect.gather @!p1 [hbm4b:s4+s5], $0x80, s1, s5, $0xb8;
	[tilespmem:$0x1F000] =	vst v63  }
0x40: {  	s21 =	smov.u32 s30;
	_ =	swait.ge [sflag:s10], $0x4000  }
0x41: {  	s30 =	sadd.s32 $0x80, s30;
	s1 =	sadd.s32 $0x80, s1;
	[sflag:s10] =	ssyncset.done $0x0  }
0x42: {  	s23 =	sadd.s32 $0x5000, s23;
	s5 =	sadd.s32 $0x5, s7;
	[sflag:s10] =	ssyncadd.s32 $0xFFFFC000  }
0x43: {  	[spmem:s2] =	stream.indirect.scatter.add.f32 [tilespmem:s23], [sflag:s5], $0x80, s21, s14, $0xb8;
	[tilespmem:$0x1F000] =	vst v63  }
0x44: {  	p0 =	sgt.u32 s17, $0x4D  }
0x45: {  	s0 =	sand.u32 @!p0 $0x3, s0  }
0x46: {  	s5 =	sadd.s32 @!p0 $0x5, s0  }
0x47: {  	s8 =	sadd.s32 $0x1, s31;
	_ =	swait.ge @!p0 [sflag:s5], $0x4000  }
0x48: {  	s7 =	sshll.u32 @!p0 s0, $0xE;
	s0 =	sadd.s32 @!p0 $0x1, s0;
	[sflag:s5] =	ssyncset.done @!p0 $0x0  }
0x49: {  	s7 =	sadd.s32 @!p0 $0x5000, s7;
	[sflag:s5] =	ssyncadd.s32 @!p0 $0xFFFFC000;
	s5 =	simm.s32 @!p0 $0x80  }
0x4a: {  	[tilespmem:s7], [sflag:s0] =	stream.indirect.gather @!p0 [hbm4b:s4+s5], $0x80, s1, s5, $0xb8;
	[tilespmem:$0x1F000] =	vst v63  }
0x4b: {  	_ =	swait.ge [sflag:s8], $0x4000  }
0x4c: {  	[sflag:s8] =	ssyncset.done $0x0  }
0x4d: {  	s21 =	sadd.s32 $0x5000, s20;
	s23 =	sadd.s32 $0x5, s31;
	[sflag:s8] =	ssyncadd.s32 $0xFFFFC000  }
0x4e: {  	[spmem:s2] =	stream.indirect.scatter.add.f32 [tilespmem:s21], [sflag:s23], $0x80, s30, s14, $0xb8;
	[tilespmem:$0x1F000] =	vst v63  }
0x4f: {  	_ =	swait.ge [sflag:s24], $0x4000  }
0x50: {  	[sflag:s24] =	ssyncset.done $0x0  }
0x51: {  	[sflag:s24] =	ssyncadd.s32 $0xFFFFC000  }
0x52: {  	_ =	swait.ge [sflag:s25], $0x4000  }
0x53: {  	[sflag:s25] =	ssyncset.done $0x0  }
0x54: {  	[sflag:s25] =	ssyncadd.s32 $0xFFFFC000  }
0x55: {  	_ =	swait.ge [sflag:s26], $0x4000  }
0x56: {  	[sflag:s26] =	ssyncset.done $0x0  }
0x57: {  	[sflag:s26] =	ssyncadd.s32 $0xFFFFC000  }
0x58: {  	_ =	swait.ge [sflag:s28], $0x4000  }
0x59: {  	[sflag:s28] =	ssyncset.done $0x0  }
0x5a: {  	[sflag:s28] =	ssyncadd.s32 $0xFFFFC000  }
0x5b: {  	[bflag:$0x0] =	sbarrier.arrive $0xFFFF  }
0x5c: {  	s30 =	rddreg [dreg:$0x6]  }
0x5d: {  	[hbm:s30], [sflag:s6] =	dma.local [spmem:s11], $0x1400  }
0x5e: {  	_ =	swait.ge [sflag:s12], $0x1400  }
0x5f: {  	s29 =	sadd.s32 $0x1, s29;
	s31 =	rddreg [dreg:$0x7]  }
0x60: {  	p0 =	sne.s32 s29, s31  }
.Ltmp1:
0x61: {  	_ = 	snop;
	(pc) =	sbr.rel @p0 .LBB2_1-.Ltmp1, $3  }
0x62: {  	_ =	sdelay $0x1  }
0x63: {  	[sflag:s12] =	ssyncset.done $0x0  }
0x64: {  	[sflag:s12] =	ssyncadd.s32 $0xFFFFEC00  }
0x65: {  	_ =	sfence.sel $0x180000  }
0x66: {  	[bflag:$0x0] =	sbarrier.arrive $0xFFFF  }
0x67: {  	_ =	strace $0x9000004A  }
0x68: {  	s0 =	stileid.u32;
	[bflag:$0x2] =	sbarrier.arrive $0xFFFF  }
0x69: {  	p0 =	sne.s32 s0, $0x0;
	s0 =	rddreg [dreg:$0x2]  }
0x6a: {  	s0 =	sadd.s32 @!p0 $0x100000, s0  }
0x6b: {  	[sflag:s0] =	ssyncadd.tile.s32 @!p0 $0x1;
	_ =	shalt  }
.Lfunc_end2:
_tile_overlayer_lowered:
.L_overlay_start_2:
0x6c: {  	(tag) =	ssettag $0x2  }
0x6d: {  	s0 =	rddreg [dreg:$0x0];
	s2 =	stileid.u32  }
0x6e: {  	s1 =	rddreg [dreg:$0x1];
	p0 =	sne.s32 s2, $0x0  }
0x6f: {  	s3 =	rddreg [dreg:$0x2];
	[bflag:$0x3] =	sbarrier.arrive $0xFFFF;
	s2 =	simm.s32 @!p0 $0x1C09  }
0x70: {  	[timem:s3], [sflag:s2] =	dma.local @!p0 [hbm:s0], s1  }
0x71: {  	s0 =	simm.s32 @!p0 $0x9  }
0x72: {  	_ =	swait.ge @!p0 [sflag:s0], s1  }
0x73: {  	s1 =	ssub.s32 @!p0 $0x0, s1;
	[sflag:s0] =	ssyncset.done @!p0 $0x0  }
0x74: {  	[sflag:s0] =	ssyncadd.s32 @!p0 s1  }
0x75: {  	[bflag:$0x3] =	sbarrier.arrive $0xFFFF  }
0x76: {  	_ =	shalt  }

</sc_bundles>
